<compile_context>
chip_gen: v7x
topology: tpu7x:2x2x1
jax: 0.10.2.dev20260603
libtpu: 0.0.44.dev20260713+nightly
codegen_flags: <defaults>
</compile_context>

<pallas_src>
import functools

import jax
import jax.numpy as jnp
from jax import lax
from jax.experimental import pallas as pl
from jax.experimental.pallas import tpu as pltpu
from jax.experimental.pallas import tpu_sc as plsc

_EMB_DIM = 64
_BATCH = 16384
_NC = 2
_NS = 16
_NW = _NC * _NS
_B_PER_W = _BATCH // _NW
_L = 16
_NG = _B_PER_W // _L

_mesh = plsc.VectorSubcoreMesh(core_axis_name="c", subcore_axis_name="s")


@functools.partial(
    pl.kernel,
    mesh=_mesh,
    out_type=jax.ShapeDtypeStruct((_BATCH * _EMB_DIM,), jnp.float32),
    scratch_types=[
        pltpu.VMEM((_B_PER_W,), jnp.int32),
        pltpu.VMEM((_B_PER_W * _EMB_DIM,), jnp.float32),
        pltpu.SemaphoreType.DMA,
    ],
    compiler_params=pltpu.CompilerParams(needs_layout_passes=False),
)
def _gather_kernel(idx_hbm, table_hbm, out_hbm, idx_v, out_v, sem):
    wid = lax.axis_index("s") * _NC + lax.axis_index("c")
    base = wid * _B_PER_W
    pltpu.sync_copy(idx_hbm.at[pl.ds(base, _B_PER_W)], idx_v)
    lane = lax.iota(jnp.int32, 16)

    def body(g, carry):
        idxg = idx_v[pl.ds(g * _L, _L)]
        for j in range(_L):
            row_s = jnp.max(jnp.where(lane == j, idxg, 0))
            pltpu.async_copy(
                table_hbm.at[row_s, 0],
                out_v.at[pl.ds((g * _L + j) * _EMB_DIM, _EMB_DIM)],
                sem,
            )
        return carry

    lax.fori_loop(0, _NG, body, 0)
    pltpu.make_async_copy(
        out_hbm.at[pl.ds(0, _B_PER_W * _EMB_DIM)], out_v, sem
    ).wait()
    pltpu.sync_copy(out_v, out_hbm.at[pl.ds(base * _EMB_DIM, _B_PER_W * _EMB_DIM)])


def kernel(input, table):
    table3 = table.reshape(1000000, 1, _EMB_DIM)
    out = _gather_kernel(input.astype(jnp.int32), table3)
    return out.reshape(1, 1, -1)

# --- scband reference (transcript-rebuilt; emitter-appended) ---
"""Pipeline reference for scband-cond-embed-3891240370938 (READ-ONLY COPY).

The authoritative reference and input builder live on the scoring server;
editing this copy changes nothing except your own understanding.
"""

import jax, jax.numpy as jnp
import numpy as np

NUM_EMB = 1000000
EMB_DIM = 64
PAD_ID = 0
BATCH = 16384


def setup_inputs(seed: int = 0) -> dict:
    key = jax.random.key(seed)
    k1, k2 = jax.random.split(key)
    inp = jax.random.randint(k1, (BATCH,), 0, NUM_EMB, dtype=jnp.int64 if jax.config.jax_enable_x64 else jnp.int32)
    table = jax.random.normal(k2, (NUM_EMB, EMB_DIM), dtype=jnp.float32)
    # padding_idx row is initialized to zero in nn.Embedding
    table = table.at[PAD_ID].set(0.0)
    return {"input": inp, "table": table}


def reference(input, table):
    # nn.Embedding lookup (padding row already zeroed in table)
    emb = jnp.take(table, input, axis=0)           # [BATCH, EMB_DIM]
    out = emb.reshape(1, 1, -1)                    # .view(1, 1, -1)
    # dropout is identity in eval mode
    return out

if __name__ == "__main__":
    import jax
    _d = setup_inputs()
    print(jax.jit(kernel)(*tuple(_d.values())))

</pallas_src>

<mosaic_0001>
#map = affine_map<(d0, d1) -> (0)>
#map1 = affine_map<(d0, d1) -> (0, 0, 0)>
module attributes {stable_mosaic.version = 14 : i64} {
  func.func @_gather_kernel(%arg0: i32, %arg1: i32, %arg2: memref<16384xi32, #tpu.memory_space<hbm>>, %arg3: memref<1000000x1x64xf32, #tpu.memory_space<hbm>>, %arg4: memref<1048576xf32, #tpu.memory_space<hbm>>, %arg5: memref<512xi32, #tpu.memory_space<vmem>>, %arg6: memref<32768xf32, #tpu.memory_space<vmem>>, %arg7: memref<!tpu.dma_semaphore, #tpu.memory_space<semaphore_mem>>) attributes {dimension_semantics = [#tpu.dimension_semantics<core_parallel>, #tpu.dimension_semantics<subcore_parallel>], iteration_bounds = array<i64: 2, 16>, scalar_prefetch = 0 : i64, scratch_operands = 3 : i64, tpu.core_type = #tpu.core_type<sc_vector_subcore>, window_params = [{transform_indices = #map}, {transform_indices = #map1}, {transform_indices = #map}]} {
    %mul3A = arith.constant 2 : i32
    %mul3A_0 = arith.muli %arg1, %mul3A : i32
    %add3A = arith.addi %mul3A_0, %arg0 : i32
    %mul3A_1 = arith.constant 512 : i32
    %mul3A_2 = arith.muli %add3A, %mul3A_1 : i32
    "tpu.region"() ({
      %run_scoped3A = tpu.sem_alloc : memref<!tpu.dma_semaphore, #tpu.memory_space<semaphore_mem>>
      %dma_start3A = tpu.memref_slice %arg2[%mul3A_2] : memref<16384xi32, #tpu.memory_space<hbm>> -> memref<512xi32, #tpu.memory_space<hbm>>
      %dma_start3A_13 = tpu.memref_slice %arg2[%mul3A_2] : memref<16384xi32, #tpu.memory_space<hbm>> -> memref<512xi32, #tpu.memory_space<hbm>>
      tpu.enqueue_dma source(%dma_start3A_13 : memref<512xi32, #tpu.memory_space<hbm>>) target(%arg5 : memref<512xi32, #tpu.memory_space<vmem>>) target_semaphore(%run_scoped3A : memref<!tpu.dma_semaphore, #tpu.memory_space<semaphore_mem>>)
      %dma_wait3A_14 = tpu.memref_slice %arg2[%mul3A_2] : memref<16384xi32, #tpu.memory_space<hbm>> -> memref<512xi32, #tpu.memory_space<hbm>>
      %dma_wait3A_15 = tpu.memref_slice %arg2[%mul3A_2] : memref<16384xi32, #tpu.memory_space<hbm>> -> memref<512xi32, #tpu.memory_space<hbm>>
      tpu.wait_dma2 semaphore(%run_scoped3A : memref<!tpu.dma_semaphore, #tpu.memory_space<semaphore_mem>>) src(%dma_wait3A_15 : memref<512xi32, #tpu.memory_space<hbm>>) dst(%arg5 : memref<512xi32, #tpu.memory_space<vmem>>)
      tpu.yield
    }) : () -> ()
    %iota3A = tpu.iota {dimensions = array<i32: 0>} : vector<16xi32>
    %scan3A = arith.constant 0 : i32
    %scan3A_3 = arith.constant 0 : i32
    %scan3A_4 = arith.constant 32 : i32
    %scan3A_5 = arith.addi %scan3A_3, %scan3A_4 : i32
    %scan3A_6 = arith.constant 1 : i32
    scf.for %scan3A_13 = %scan3A_3 to %scan3A_5 step %scan3A_6  : i32 {
      %mul3A_14 = arith.constant 16 : i32
      %mul3A_15 = arith.muli %scan3A_13, %mul3A_14 : i32
      %get3A = arith.index_cast %mul3A_15 : i32 to index
      %get3A_16 = tpu.vector_load %arg5[%get3A] {strides = array<i32>} : memref<512xi32, #tpu.memory_space<vmem>>, vector<16xi32>,
      %eq3A = arith.constant 0 : i32
      %eq3A_17 = vector.broadcast %eq3A : i32 to vector<16xi32>
      %eq3A_18 = arith.cmpi eq, %iota3A, %eq3A_17 : vector<16xi32>
      %jit3A = arith.constant 0 : i32
      %broadcast_in_dim3A = vector.broadcast %jit3A : i32 to vector<16xi32>
      %select_n3A = arith.select %eq3A_18, %get3A_16, %broadcast_in_dim3A : vector<16xi1>, vector<16xi32>
      %reduce_max3A = arith.constant true
      %reduce_max3A_19 = vector.broadcast %reduce_max3A : i1 to vector<16xi1>
      %reduce_max3A_20 = arith.constant -2147483648 : i32
      %reduce_max3A_21 = vector.broadcast %reduce_max3A_20 : i32 to vector<16xi32>
      %reduce_max3A_22 = arith.xori %select_n3A, %reduce_max3A_21 : vector<16xi32>
      %reduce_max3A_23 = tpu.scan <max>, %reduce_max3A_22 masked %reduce_max3A_19 : vector<16xi32>, vector<16xi1> -> vector<16xi32>
      %reduce_max3A_24 = arith.xori %reduce_max3A_23, %reduce_max3A_21 : vector<16xi32>
      %reduce_max3A_25 = vector.extract %reduce_max3A_24[15] : i32 from vector<16xi32>
      %mul3A_26 = arith.constant 16 : i32
      %mul3A_27 = arith.muli %scan3A_13, %mul3A_26 : i32
      %add3A_28 = arith.constant 0 : i32
      %add3A_29 = arith.addi %mul3A_27, %add3A_28 : i32
      %mul3A_30 = arith.constant 64 : i32
      %mul3A_31 = arith.muli %add3A_29, %mul3A_30 : i32
      %dma_start3A = arith.constant 0 : i32
      %dma_start3A_32 = tpu.memref_slice %arg6[%mul3A_31] : memref<32768xf32, #tpu.memory_space<vmem>> -> memref<64xf32, #tpu.memory_space<vmem>>
      %dma_start3A_33 = arith.constant 0 : i32
      %dma_start3A_34 = tpu.memref_slice %arg3[%reduce_max3A_25, %dma_start3A, %dma_start3A_33] : memref<1000000x1x64xf32, #tpu.memory_space<hbm>> -> memref<1x1x64xf32, #tpu.memory_space<hbm>>
      %dma_start3A_35 = tpu.memref_squeeze %dma_start3A_34 : memref<1x1x64xf32, #tpu.memory_space<hbm>> -> memref<64xf32, #tpu.memory_space<hbm>>
      %dma_start3A_36 = tpu.memref_slice %arg6[%mul3A_31] : memref<32768xf32, #tpu.memory_space<vmem>> -> memref<64xf32, #tpu.memory_space<vmem>>
      %dma_start3A_37 = arith.constant 0 : i32
      %dma_start3A_38 = tpu.memref_slice %arg3[%reduce_max3A_25, %dma_start3A, %dma_start3A_37] : memref<1000000x1x64xf32, #tpu.memory_space<hbm>> -> memref<1x1x64xf32, #tpu.memory_space<hbm>>
      %dma_start3A_39 = tpu.memref_squeeze %dma_start3A_38 : memref<1x1x64xf32, #tpu.memory_space<hbm>> -> memref<64xf32, #tpu.memory_space<hbm>>
      tpu.enqueue_dma source(%dma_start3A_39 : memref<64xf32, #tpu.memory_space<hbm>>) target(%dma_start3A_36 : memref<64xf32, #tpu.memory_space<vmem>>) target_semaphore(%arg7 : memref<!tpu.dma_semaphore, #tpu.memory_space<semaphore_mem>>)
      %eq3A_40 = arith.constant 1 : i32
      %eq3A_41 = vector.broadcast %eq3A_40 : i32 to vector<16xi32>
      %eq3A_42 = arith.cmpi eq, %iota3A, %eq3A_41 : vector<16xi32>
      %jit3A_43 = arith.constant 0 : i32
      %broadcast_in_dim3A_44 = vector.broadcast %jit3A_43 : i32 to vector<16xi32>
      %select_n3A_45 = arith.select %eq3A_42, %get3A_16, %broadcast_in_dim3A_44 : vector<16xi1>, vector<16xi32>
      %reduce_max3A_46 = arith.constant true
      %reduce_max3A_47 = vector.broadcast %reduce_max3A_46 : i1 to vector<16xi1>
      %reduce_max3A_48 = arith.constant -2147483648 : i32
      %reduce_max3A_49 = vector.broadcast %reduce_max3A_48 : i32 to vector<16xi32>
      %reduce_max3A_50 = arith.xori %select_n3A_45, %reduce_max3A_49 : vector<16xi32>
      %reduce_max3A_51 = tpu.scan <max>, %reduce_max3A_50 masked %reduce_max3A_47 : vector<16xi32>, vector<16xi1> -> vector<16xi32>
      %reduce_max3A_52 = arith.xori %reduce_max3A_51, %reduce_max3A_49 : vector<16xi32>
      %reduce_max3A_53 = vector.extract %reduce_max3A_52[15] : i32 from vector<16xi32>
      %mul3A_54 = arith.constant 16 : i32
      %mul3A_55 = arith.muli %scan3A_13, %mul3A_54 : i32
      %add3A_56 = arith.constant 1 : i32
      %add3A_57 = arith.addi %mul3A_55, %add3A_56 : i32
      %mul3A_58 = arith.constant 64 : i32
      %mul3A_59 = arith.muli %add3A_57, %mul3A_58 : i32
      %dma_start3A_60 = arith.constant 0 : i32
      %dma_start3A_61 = tpu.memref_slice %arg6[%mul3A_59] : memref<32768xf32, #tpu.memory_space<vmem>> -> memref<64xf32, #tpu.memory_space<vmem>>
      %dma_start3A_62 = arith.constant 0 : i32
      %dma_start3A_63 = tpu.memref_slice %arg3[%reduce_max3A_53, %dma_start3A_60, %dma_start3A_62] : memref<1000000x1x64xf32, #tpu.memory_space<hbm>> -> memref<1x1x64xf32, #tpu.memory_space<hbm>>
      %dma_start3A_64 = tpu.memref_squeeze %dma_start3A_63 : memref<1x1x64xf32, #tpu.memory_space<hbm>> -> memref<64xf32, #tpu.memory_space<hbm>>
      %dma_start3A_65 = tpu.memref_slice %arg6[%mul3A_59] : memref<32768xf32, #tpu.memory_space<vmem>> -> memref<64xf32, #tpu.memory_space<vmem>>
      %dma_start3A_66 = arith.constant 0 : i32
      %dma_start3A_67 = tpu.memref_slice %arg3[%reduce_max3A_53, %dma_start3A_60, %dma_start3A_66] : memref<1000000x1x64xf32, #tpu.memory_space<hbm>> -> memref<1x1x64xf32, #tpu.memory_space<hbm>>
      %dma_start3A_68 = tpu.memref_squeeze %dma_start3A_67 : memref<1x1x64xf32, #tpu.memory_space<hbm>> -> memref<64xf32, #tpu.memory_space<hbm>>
      tpu.enqueue_dma source(%dma_start3A_68 : memref<64xf32, #tpu.memory_space<hbm>>) target(%dma_start3A_65 : memref<64xf32, #tpu.memory_space<vmem>>) target_semaphore(%arg7 : memref<!tpu.dma_semaphore, #tpu.memory_space<semaphore_mem>>)
      %eq3A_69 = arith.constant 2 : i32
      %eq3A_70 = vector.broadcast %eq3A_69 : i32 to vector<16xi32>
      %eq3A_71 = arith.cmpi eq, %iota3A, %eq3A_70 : vector<16xi32>
      %jit3A_72 = arith.constant 0 : i32
      %broadcast_in_dim3A_73 = vector.broadcast %jit3A_72 : i32 to vector<16xi32>
      %select_n3A_74 = arith.select %eq3A_71, %get3A_16, %broadcast_in_dim3A_73 : vector<16xi1>, vector<16xi32>
      %reduce_max3A_75 = arith.constant true
      %reduce_max3A_76 = vector.broadcast %reduce_max3A_75 : i1 to vector<16xi1>
      %reduce_max3A_77 = arith.constant -2147483648 : i32
      %reduce_max3A_78 = vector.broadcast %reduce_max3A_77 : i32 to vector<16xi32>
      %reduce_max3A_79 = arith.xori %select_n3A_74, %reduce_max3A_78 : vector<16xi32>
      %reduce_max3A_80 = tpu.scan <max>, %reduce_max3A_79 masked %reduce_max3A_76 : vector<16xi32>, vector<16xi1> -> vector<16xi32>
      %reduce_max3A_81 = arith.xori %reduce_max3A_80, %reduce_max3A_78 : vector<16xi32>
      %reduce_max3A_82 = vector.extract %reduce_max3A_81[15] : i32 from vector<16xi32>
      %mul3A_83 = arith.constant 16 : i32
      %mul3A_84 = arith.muli %scan3A_13, %mul3A_83 : i32
      %add3A_85 = arith.constant 2 : i32
      %add3A_86 = arith.addi %mul3A_84, %add3A_85 : i32
      %mul3A_87 = arith.constant 64 : i32
      %mul3A_88 = arith.muli %add3A_86, %mul3A_87 : i32
      %dma_start3A_89 = arith.constant 0 : i32
      %dma_start3A_90 = tpu.memref_slice %arg6[%mul3A_88] : memref<32768xf32, #tpu.memory_space<vmem>> -> memref<64xf32, #tpu.memory_space<vmem>>
      %dma_start3A_91 = arith.constant 0 : i32
      %dma_start3A_92 = tpu.memref_slice %arg3[%reduce_max3A_82, %dma_start3A_89, %dma_start3A_91] : memref<1000000x1x64xf32, #tpu.memory_space<hbm>> -> memref<1x1x64xf32, #tpu.memory_space<hbm>>
      %dma_start3A_93 = tpu.memref_squeeze %dma_start3A_92 : memref<1x1x64xf32, #tpu.memory_space<hbm>> -> memref<64xf32, #tpu.memory_space<hbm>>
      %dma_start3A_94 = tpu.memref_slice %arg6[%mul3A_88] : memref<32768xf32, #tpu.memory_space<vmem>> -> memref<64xf32, #tpu.memory_space<vmem>>
      %dma_start3A_95 = arith.constant 0 : i32
      %dma_start3A_96 = tpu.memref_slice %arg3[%reduce_max3A_82, %dma_start3A_89, %dma_start3A_95] : memref<1000000x1x64xf32, #tpu.memory_space<hbm>> -> memref<1x1x64xf32, #tpu.memory_space<hbm>>
      %dma_start3A_97 = tpu.memref_squeeze %dma_start3A_96 : memref<1x1x64xf32, #tpu.memory_space<hbm>> -> memref<64xf32, #tpu.memory_space<hbm>>
      tpu.enqueue_dma source(%dma_start3A_97 : memref<64xf32, #tpu.memory_space<hbm>>) target(%dma_start3A_94 : memref<64xf32, #tpu.memory_space<vmem>>) target_semaphore(%arg7 : memref<!tpu.dma_semaphore, #tpu.memory_space<semaphore_mem>>)
      %eq3A_98 = arith.constant 3 : i32
      %eq3A_99 = vector.broadcast %eq3A_98 : i32 to vector<16xi32>
      %eq3A_100 = arith.cmpi eq, %iota3A, %eq3A_99 : vector<16xi32>
      %jit3A_101 = arith.constant 0 : i32
      %broadcast_in_dim3A_102 = vector.broadcast %jit3A_101 : i32 to vector<16xi32>
      %select_n3A_103 = arith.select %eq3A_100, %get3A_16, %broadcast_in_dim3A_102 : vector<16xi1>, vector<16xi32>
      %reduce_max3A_104 = arith.constant true
      %reduce_max3A_105 = vector.broadcast %reduce_max3A_104 : i1 to vector<16xi1>
      %reduce_max3A_106 = arith.constant -2147483648 : i32
      %reduce_max3A_107 = vector.broadcast %reduce_max3A_106 : i32 to vector<16xi32>
      %reduce_max3A_108 = arith.xori %select_n3A_103, %reduce_max3A_107 : vector<16xi32>
      %reduce_max3A_109 = tpu.scan <max>, %reduce_max3A_108 masked %reduce_max3A_105 : vector<16xi32>, vector<16xi1> -> vector<16xi32>
      %reduce_max3A_110 = arith.xori %reduce_max3A_109, %reduce_max3A_107 : vector<16xi32>
      %reduce_max3A_111 = vector.extract %reduce_max3A_110[15] : i32 from vector<16xi32>
      %mul3A_112 = arith.constant 16 : i32
      %mul3A_113 = arith.muli %scan3A_13, %mul3A_112 : i32
      %add3A_114 = arith.constant 3 : i32
      %add3A_115 = arith.addi %mul3A_113, %add3A_114 : i32
      %mul3A_116 = arith.constant 64 : i32
      %mul3A_117 = arith.muli %add3A_115, %mul3A_116 : i32
      %dma_start3A_118 = arith.constant 0 : i32
      %dma_start3A_119 = tpu.memref_slice %arg6[%mul3A_117] : memref<32768xf32, #tpu.memory_space<vmem>> -> memref<64xf32, #tpu.memory_space<vmem>>
      %dma_start3A_120 = arith.constant 0 : i32
      %dma_start3A_121 = tpu.memref_slice %arg3[%reduce_max3A_111, %dma_start3A_118, %dma_start3A_120] : memref<1000000x1x64xf32, #tpu.memory_space<hbm>> -> memref<1x1x64xf32, #tpu.memory_space<hbm>>
      %dma_start3A_122 = tpu.memref_squeeze %dma_start3A_121 : memref<1x1x64xf32, #tpu.memory_space<hbm>> -> memref<64xf32, #tpu.memory_space<hbm>>
      %dma_start3A_123 = tpu.memref_slice %arg6[%mul3A_117] : memref<32768xf32, #tpu.memory_space<vmem>> -> memref<64xf32, #tpu.memory_space<vmem>>
      %dma_start3A_124 = arith.constant 0 : i32
      %dma_start3A_125 = tpu.memref_slice %arg3[%reduce_max3A_111, %dma_start3A_118, %dma_start3A_124] : memref<1000000x1x64xf32, #tpu.memory_space<hbm>> -> memref<1x1x64xf32, #tpu.memory_space<hbm>>
      %dma_start3A_126 = tpu.memref_squeeze %dma_start3A_125 : memref<1x1x64xf32, #tpu.memory_space<hbm>> -> memref<64xf32, #tpu.memory_space<hbm>>
      tpu.enqueue_dma source(%dma_start3A_126 : memref<64xf32, #tpu.memory_space<hbm>>) target(%dma_start3A_123 : memref<64xf32, #tpu.memory_space<vmem>>) target_semaphore(%arg7 : memref<!tpu.dma_semaphore, #tpu.memory_space<semaphore_mem>>)
      %eq3A_127 = arith.constant 4 : i32
      %eq3A_128 = vector.broadcast %eq3A_127 : i32 to vector<16xi32>
      %eq3A_129 = arith.cmpi eq, %iota3A, %eq3A_128 : vector<16xi32>
      %jit3A_130 = arith.constant 0 : i32
      %broadcast_in_dim3A_131 = vector.broadcast %jit3A_130 : i32 to vector<16xi32>
      %select_n3A_132 = arith.select %eq3A_129, %get3A_16, %broadcast_in_dim3A_131 : vector<16xi1>, vector<16xi32>
      %reduce_max3A_133 = arith.constant true
      %reduce_max3A_134 = vector.broadcast %reduce_max3A_133 : i1 to vector<16xi1>
      %reduce_max3A_135 = arith.constant -2147483648 : i32
      %reduce_max3A_136 = vector.broadcast %reduce_max3A_135 : i32 to vector<16xi32>
      %reduce_max3A_137 = arith.xori %select_n3A_132, %reduce_max3A_136 : vector<16xi32>
      %reduce_max3A_138 = tpu.scan <max>, %reduce_max3A_137 masked %reduce_max3A_134 : vector<16xi32>, vector<16xi1> -> vector<16xi32>
      %reduce_max3A_139 = arith.xori %reduce_max3A_138, %reduce_max3A_136 : vector<16xi32>
      %reduce_max3A_140 = vector.extract %reduce_max3A_139[15] : i32 from vector<16xi32>
      %mul3A_141 = arith.constant 16 : i32
      %mul3A_142 = arith.muli %scan3A_13, %mul3A_141 : i32
      %add3A_143 = arith.constant 4 : i32
      %add3A_144 = arith.addi %mul3A_142, %add3A_143 : i32
      %mul3A_145 = arith.constant 64 : i32
      %mul3A_146 = arith.muli %add3A_144, %mul3A_145 : i32
      %dma_start3A_147 = arith.constant 0 : i32
      %dma_start3A_148 = tpu.memref_slice %arg6[%mul3A_146] : memref<32768xf32, #tpu.memory_space<vmem>> -> memref<64xf32, #tpu.memory_space<vmem>>
      %dma_start3A_149 = arith.constant 0 : i32
      %dma_start3A_150 = tpu.memref_slice %arg3[%reduce_max3A_140, %dma_start3A_147, %dma_start3A_149] : memref<1000000x1x64xf32, #tpu.memory_space<hbm>> -> memref<1x1x64xf32, #tpu.memory_space<hbm>>
      %dma_start3A_151 = tpu.memref_squeeze %dma_start3A_150 : memref<1x1x64xf32, #tpu.memory_space<hbm>> -> memref<64xf32, #tpu.memory_space<hbm>>
      %dma_start3A_152 = tpu.memref_slice %arg6[%mul3A_146] : memref<32768xf32, #tpu.memory_space<vmem>> -> memref<64xf32, #tpu.memory_space<vmem>>
      %dma_start3A_153 = arith.constant 0 : i32
      %dma_start3A_154 = tpu.memref_slice %arg3[%reduce_max3A_140, %dma_start3A_147, %dma_start3A_153] : memref<1000000x1x64xf32, #tpu.memory_space<hbm>> -> memref<1x1x64xf32, #tpu.memory_space<hbm>>
      %dma_start3A_155 = tpu.memref_squeeze %dma_start3A_154 : memref<1x1x64xf32, #tpu.memory_space<hbm>> -> memref<64xf32, #tpu.memory_space<hbm>>
      tpu.enqueue_dma source(%dma_start3A_155 : memref<64xf32, #tpu.memory_space<hbm>>) target(%dma_start3A_152 : memref<64xf32, #tpu.memory_space<vmem>>) target_semaphore(%arg7 : memref<!tpu.dma_semaphore, #tpu.memory_space<semaphore_mem>>)
      %eq3A_156 = arith.constant 5 : i32
      %eq3A_157 = vector.broadcast %eq3A_156 : i32 to vector<16xi32>
      %eq3A_158 = arith.cmpi eq, %iota3A, %eq3A_157 : vector<16xi32>
      %jit3A_159 = arith.constant 0 : i32
      %broadcast_in_dim3A_160 = vector.broadcast %jit3A_159 : i32 to vector<16xi32>
      %select_n3A_161 = arith.select %eq3A_158, %get3A_16, %broadcast_in_dim3A_160 : vector<16xi1>, vector<16xi32>
      %reduce_max3A_162 = arith.constant true
      %reduce_max3A_163 = vector.broadcast %reduce_max3A_162 : i1 to vector<16xi1>
      %reduce_max3A_164 = arith.constant -2147483648 : i32
      %reduce_max3A_165 = vector.broadcast %reduce_max3A_164 : i32 to vector<16xi32>
      %reduce_max3A_166 = arith.xori %select_n3A_161, %reduce_max3A_165 : vector<16xi32>
      %reduce_max3A_167 = tpu.scan <max>, %reduce_max3A_166 masked %reduce_max3A_163 : vector<16xi32>, vector<16xi1> -> vector<16xi32>
      %reduce_max3A_168 = arith.xori %reduce_max3A_167, %reduce_max3A_165 : vector<16xi32>
      %reduce_max3A_169 = vector.extract %reduce_max3A_168[15] : i32 from vector<16xi32>
      %mul3A_170 = arith.constant 16 : i32
      %mul3A_171 = arith.muli %scan3A_13, %mul3A_170 : i32
      %add3A_172 = arith.constant 5 : i32
      %add3A_173 = arith.addi %mul3A_171, %add3A_172 : i32
      %mul3A_174 = arith.constant 64 : i32
      %mul3A_175 = arith.muli %add3A_173, %mul3A_174 : i32
      %dma_start3A_176 = arith.constant 0 : i32
      %dma_start3A_177 = tpu.memref_slice %arg6[%mul3A_175] : memref<32768xf32, #tpu.memory_space<vmem>> -> memref<64xf32, #tpu.memory_space<vmem>>
      %dma_start3A_178 = arith.constant 0 : i32
      %dma_start3A_179 = tpu.memref_slice %arg3[%reduce_max3A_169, %dma_start3A_176, %dma_start3A_178] : memref<1000000x1x64xf32, #tpu.memory_space<hbm>> -> memref<1x1x64xf32, #tpu.memory_space<hbm>>
      %dma_start3A_180 = tpu.memref_squeeze %dma_start3A_179 : memref<1x1x64xf32, #tpu.memory_space<hbm>> -> memref<64xf32, #tpu.memory_space<hbm>>
      %dma_start3A_181 = tpu.memref_slice %arg6[%mul3A_175] : memref<32768xf32, #tpu.memory_space<vmem>> -> memref<64xf32, #tpu.memory_space<vmem>>
      %dma_start3A_182 = arith.constant 0 : i32
      %dma_start3A_183 = tpu.memref_slice %arg3[%reduce_max3A_169, %dma_start3A_176, %dma_start3A_182] : memref<1000000x1x64xf32, #tpu.memory_space<hbm>> -> memref<1x1x64xf32, #tpu.memory_space<hbm>>
      %dma_start3A_184 = tpu.memref_squeeze %dma_start3A_183 : memref<1x1x64xf32, #tpu.memory_space<hbm>> -> memref<64xf32, #tpu.memory_space<hbm>>
      tpu.enqueue_dma source(%dma_start3A_184 : memref<64xf32, #tpu.memory_space<hbm>>) target(%dma_start3A_181 : memref<64xf32, #tpu.memory_space<vmem>>) target_semaphore(%arg7 : memref<!tpu.dma_semaphore, #tpu.memory_space<semaphore_mem>>)
      %eq3A_185 = arith.constant 6 : i32
      %eq3A_186 = vector.broadcast %eq3A_185 : i32 to vector<16xi32>
      %eq3A_187 = arith.cmpi eq, %iota3A, %eq3A_186 : vector<16xi32>
      %jit3A_188 = arith.constant 0 : i32
      %broadcast_in_dim3A_189 = vector.broadcast %jit3A_188 : i32 to vector<16xi32>
      %select_n3A_190 = arith.select %eq3A_187, %get3A_16, %broadcast_in_dim3A_189 : vector<16xi1>, vector<16xi32>
      %reduce_max3A_191 = arith.constant true
      %reduce_max3A_192 = vector.broadcast %reduce_max3A_191 : i1 to vector<16xi1>
      %reduce_max3A_193 = arith.constant -2147483648 : i32
      %reduce_max3A_194 = vector.broadcast %reduce_max3A_193 : i32 to vector<16xi32>
      %reduce_max3A_195 = arith.xori %select_n3A_190, %reduce_max3A_194 : vector<16xi32>
      %reduce_max3A_196 = tpu.scan <max>, %reduce_max3A_195 masked %reduce_max3A_192 : vector<16xi32>, vector<16xi1> -> vector<16xi32>
      %reduce_max3A_197 = arith.xori %reduce_max3A_196, %reduce_max3A_194 : vector<16xi32>
      %reduce_max3A_198 = vector.extract %reduce_max3A_197[15] : i32 from vector<16xi32>
      %mul3A_199 = arith.constant 16 : i32
      %mul3A_200 = arith.muli %scan3A_13, %mul3A_199 : i32
      %add3A_201 = arith.constant 6 : i32
      %add3A_202 = arith.addi %mul3A_200, %add3A_201 : i32
      %mul3A_203 = arith.constant 64 : i32
      %mul3A_204 = arith.muli %add3A_202, %mul3A_203 : i32
      %dma_start3A_205 = arith.constant 0 : i32
      %dma_start3A_206 = tpu.memref_slice %arg6[%mul3A_204] : memref<32768xf32, #tpu.memory_space<vmem>> -> memref<64xf32, #tpu.memory_space<vmem>>
      %dma_start3A_207 = arith.constant 0 : i32
      %dma_start3A_208 = tpu.memref_slice %arg3[%reduce_max3A_198, %dma_start3A_205, %dma_start3A_207] : memref<1000000x1x64xf32, #tpu.memory_space<hbm>> -> memref<1x1x64xf32, #tpu.memory_space<hbm>>
      %dma_start3A_209 = tpu.memref_squeeze %dma_start3A_208 : memref<1x1x64xf32, #tpu.memory_space<hbm>> -> memref<64xf32, #tpu.memory_space<hbm>>
      %dma_start3A_210 = tpu.memref_slice %arg6[%mul3A_204] : memref<32768xf32, #tpu.memory_space<vmem>> -> memref<64xf32, #tpu.memory_space<vmem>>
      %dma_start3A_211 = arith.constant 0 : i32
      %dma_start3A_212 = tpu.memref_slice %arg3[%reduce_max3A_198, %dma_start3A_205, %dma_start3A_211] : memref<1000000x1x64xf32, #tpu.memory_space<hbm>> -> memref<1x1x64xf32, #tpu.memory_space<hbm>>
      %dma_start3A_213 = tpu.memref_squeeze %dma_start3A_212 : memref<1x1x64xf32, #tpu.memory_space<hbm>> -> memref<64xf32, #tpu.memory_space<hbm>>
      tpu.enqueue_dma source(%dma_start3A_213 : memref<64xf32, #tpu.memory_space<hbm>>) target(%dma_start3A_210 : memref<64xf32, #tpu.memory_space<vmem>>) target_semaphore(%arg7 : memref<!tpu.dma_semaphore, #tpu.memory_space<semaphore_mem>>)
      %eq3A_214 = arith.constant 7 : i32
      %eq3A_215 = vector.broadcast %eq3A_214 : i32 to vector<16xi32>
      %eq3A_216 = arith.cmpi eq, %iota3A, %eq3A_215 : vector<16xi32>
      %jit3A_217 = arith.constant 0 : i32
      %broadcast_in_dim3A_218 = vector.broadcast %jit3A_217 : i32 to vector<16xi32>
      %select_n3A_219 = arith.select %eq3A_216, %get3A_16, %broadcast_in_dim3A_218 : vector<16xi1>, vector<16xi32>
      %reduce_max3A_220 = arith.constant true
      %reduce_max3A_221 = vector.broadcast %reduce_max3A_220 : i1 to vector<16xi1>
      %reduce_max3A_222 = arith.constant -2147483648 : i32
      %reduce_max3A_223 = vector.broadcast %reduce_max3A_222 : i32 to vector<16xi32>
      %reduce_max3A_224 = arith.xori %select_n3A_219, %reduce_max3A_223 : vector<16xi32>
      %reduce_max3A_225 = tpu.scan <max>, %reduce_max3A_224 masked %reduce_max3A_221 : vector<16xi32>, vector<16xi1> -> vector<16xi32>
      %reduce_max3A_226 = arith.xori %reduce_max3A_225, %reduce_max3A_223 : vector<16xi32>
      %reduce_max3A_227 = vector.extract %reduce_max3A_226[15] : i32 from vector<16xi32>
      %mul3A_228 = arith.constant 16 : i32
      %mul3A_229 = arith.muli %scan3A_13, %mul3A_228 : i32
      %add3A_230 = arith.constant 7 : i32
      %add3A_231 = arith.addi %mul3A_229, %add3A_230 : i32
      %mul3A_232 = arith.constant 64 : i32
      %mul3A_233 = arith.muli %add3A_231, %mul3A_232 : i32
      %dma_start3A_234 = arith.constant 0 : i32
      %dma_start3A_235 = tpu.memref_slice %arg6[%mul3A_233] : memref<32768xf32, #tpu.memory_space<vmem>> -> memref<64xf32, #tpu.memory_space<vmem>>
      %dma_start3A_236 = arith.constant 0 : i32
      %dma_start3A_237 = tpu.memref_slice %arg3[%reduce_max3A_227, %dma_start3A_234, %dma_start3A_236] : memref<1000000x1x64xf32, #tpu.memory_space<hbm>> -> memref<1x1x64xf32, #tpu.memory_space<hbm>>
      %dma_start3A_238 = tpu.memref_squeeze %dma_start3A_237 : memref<1x1x64xf32, #tpu.memory_space<hbm>> -> memref<64xf32, #tpu.memory_space<hbm>>
      %dma_start3A_239 = tpu.memref_slice %arg6[%mul3A_233] : memref<32768xf32, #tpu.memory_space<vmem>> -> memref<64xf32, #tpu.memory_space<vmem>>
      %dma_start3A_240 = arith.constant 0 : i32
      %dma_start3A_241 = tpu.memref_slice %arg3[%reduce_max3A_227, %dma_start3A_234, %dma_start3A_240] : memref<1000000x1x64xf32, #tpu.memory_space<hbm>> -> memref<1x1x64xf32, #tpu.memory_space<hbm>>
      %dma_start3A_242 = tpu.memref_squeeze %dma_start3A_241 : memref<1x1x64xf32, #tpu.memory_space<hbm>> -> memref<64xf32, #tpu.memory_space<hbm>>
      tpu.enqueue_dma source(%dma_start3A_242 : memref<64xf32, #tpu.memory_space<hbm>>) target(%dma_start3A_239 : memref<64xf32, #tpu.memory_space<vmem>>) target_semaphore(%arg7 : memref<!tpu.dma_semaphore, #tpu.memory_space<semaphore_mem>>)
      %eq3A_243 = arith.constant 8 : i32
      %eq3A_244 = vector.broadcast %eq3A_243 : i32 to vector<16xi32>
      %eq3A_245 = arith.cmpi eq, %iota3A, %eq3A_244 : vector<16xi32>
      %jit3A_246 = arith.constant 0 : i32
      %broadcast_in_dim3A_247 = vector.broadcast %jit3A_246 : i32 to vector<16xi32>
      %select_n3A_248 = arith.select %eq3A_245, %get3A_16, %broadcast_in_dim3A_247 : vector<16xi1>, vector<16xi32>
      %reduce_max3A_249 = arith.constant true
      %reduce_max3A_250 = vector.broadcast %reduce_max3A_249 : i1 to vector<16xi1>
      %reduce_max3A_251 = arith.constant -2147483648 : i32
      %reduce_max3A_252 = vector.broadcast %reduce_max3A_251 : i32 to vector<16xi32>
      %reduce_max3A_253 = arith.xori %select_n3A_248, %reduce_max3A_252 : vector<16xi32>
      %reduce_max3A_254 = tpu.scan <max>, %reduce_max3A_253 masked %reduce_max3A_250 : vector<16xi32>, vector<16xi1> -> vector<16xi32>
      %reduce_max3A_255 = arith.xori %reduce_max3A_254, %reduce_max3A_252 : vector<16xi32>
      %reduce_max3A_256 = vector.extract %reduce_max3A_255[15] : i32 from vector<16xi32>
      %mul3A_257 = arith.constant 16 : i32
      %mul3A_258 = arith.muli %scan3A_13, %mul3A_257 : i32
      %add3A_259 = arith.constant 8 : i32
      %add3A_260 = arith.addi %mul3A_258, %add3A_259 : i32
      %mul3A_261 = arith.constant 64 : i32
      %mul3A_262 = arith.muli %add3A_260, %mul3A_261 : i32
      %dma_start3A_263 = arith.constant 0 : i32
      %dma_start3A_264 = tpu.memref_slice %arg6[%mul3A_262] : memref<32768xf32, #tpu.memory_space<vmem>> -> memref<64xf32, #tpu.memory_space<vmem>>
      %dma_start3A_265 = arith.constant 0 : i32
      %dma_start3A_266 = tpu.memref_slice %arg3[%reduce_max3A_256, %dma_start3A_263, %dma_start3A_265] : memref<1000000x1x64xf32, #tpu.memory_space<hbm>> -> memref<1x1x64xf32, #tpu.memory_space<hbm>>
      %dma_start3A_267 = tpu.memref_squeeze %dma_start3A_266 : memref<1x1x64xf32, #tpu.memory_space<hbm>> -> memref<64xf32, #tpu.memory_space<hbm>>
      %dma_start3A_268 = tpu.memref_slice %arg6[%mul3A_262] : memref<32768xf32, #tpu.memory_space<vmem>> -> memref<64xf32, #tpu.memory_space<vmem>>
      %dma_start3A_269 = arith.constant 0 : i32
      %dma_start3A_270 = tpu.memref_slice %arg3[%reduce_max3A_256, %dma_start3A_263, %dma_start3A_269] : memref<1000000x1x64xf32, #tpu.memory_space<hbm>> -> memref<1x1x64xf32, #tpu.memory_space<hbm>>
      %dma_start3A_271 = tpu.memref_squeeze %dma_start3A_270 : memref<1x1x64xf32, #tpu.memory_space<hbm>> -> memref<64xf32, #tpu.memory_space<hbm>>
      tpu.enqueue_dma source(%dma_start3A_271 : memref<64xf32, #tpu.memory_space<hbm>>) target(%dma_start3A_268 : memref<64xf32, #tpu.memory_space<vmem>>) target_semaphore(%arg7 : memref<!tpu.dma_semaphore, #tpu.memory_space<semaphore_mem>>)
      %eq3A_272 = arith.constant 9 : i32
      %eq3A_273 = vector.broadcast %eq3A_272 : i32 to vector<16xi32>
      %eq3A_274 = arith.cmpi eq, %iota3A, %eq3A_273 : vector<16xi32>
      %jit3A_275 = arith.constant 0 : i32
      %broadcast_in_dim3A_276 = vector.broadcast %jit3A_275 : i32 to vector<16xi32>
      %select_n3A_277 = arith.select %eq3A_274, %get3A_16, %broadcast_in_dim3A_276 : vector<16xi1>, vector<16xi32>
      %reduce_max3A_278 = arith.constant true
      %reduce_max3A_279 = vector.broadcast %reduce_max3A_278 : i1 to vector<16xi1>
      %reduce_max3A_280 = arith.constant -2147483648 : i32
      %reduce_max3A_281 = vector.broadcast %reduce_max3A_280 : i32 to vector<16xi32>
      %reduce_max3A_282 = arith.xori %select_n3A_277, %reduce_max3A_281 : vector<16xi32>
      %reduce_max3A_283 = tpu.scan <max>, %reduce_max3A_282 masked %reduce_max3A_279 : vector<16xi32>, vector<16xi1> -> vector<16xi32>
      %reduce_max3A_284 = arith.xori %reduce_max3A_283, %reduce_max3A_281 : vector<16xi32>
      %reduce_max3A_285 = vector.extract %reduce_max3A_284[15] : i32 from vector<16xi32>
      %mul3A_286 = arith.constant 16 : i32
      %mul3A_287 = arith.muli %scan3A_13, %mul3A_286 : i32
      %add3A_288 = arith.constant 9 : i32
      %add3A_289 = arith.addi %mul3A_287, %add3A_288 : i32
      %mul3A_290 = arith.constant 64 : i32
      %mul3A_291 = arith.muli %add3A_289, %mul3A_290 : i32
      %dma_start3A_292 = arith.constant 0 : i32
      %dma_start3A_293 = tpu.memref_slice %arg6[%mul3A_291] : memref<32768xf32, #tpu.memory_space<vmem>> -> memref<64xf32, #tpu.memory_space<vmem>>
      %dma_start3A_294 = arith.constant 0 : i32
      %dma_start3A_295 = tpu.memref_slice %arg3[%reduce_max3A_285, %dma_start3A_292, %dma_start3A_294] : memref<1000000x1x64xf32, #tpu.memory_space<hbm>> -> memref<1x1x64xf32, #tpu.memory_space<hbm>>
      %dma_start3A_296 = tpu.memref_squeeze %dma_start3A_295 : memref<1x1x64xf32, #tpu.memory_space<hbm>> -> memref<64xf32, #tpu.memory_space<hbm>>
      %dma_start3A_297 = tpu.memref_slice %arg6[%mul3A_291] : memref<32768xf32, #tpu.memory_space<vmem>> -> memref<64xf32, #tpu.memory_space<vmem>>
      %dma_start3A_298 = arith.constant 0 : i32
      %dma_start3A_299 = tpu.memref_slice %arg3[%reduce_max3A_285, %dma_start3A_292, %dma_start3A_298] : memref<1000000x1x64xf32, #tpu.memory_space<hbm>> -> memref<1x1x64xf32, #tpu.memory_space<hbm>>
      %dma_start3A_300 = tpu.memref_squeeze %dma_start3A_299 : memref<1x1x64xf32, #tpu.memory_space<hbm>> -> memref<64xf32, #tpu.memory_space<hbm>>
      tpu.enqueue_dma source(%dma_start3A_300 : memref<64xf32, #tpu.memory_space<hbm>>) target(%dma_start3A_297 : memref<64xf32, #tpu.memory_space<vmem>>) target_semaphore(%arg7 : memref<!tpu.dma_semaphore, #tpu.memory_space<semaphore_mem>>)
      %eq3A_301 = arith.constant 10 : i32
      %eq3A_302 = vector.broadcast %eq3A_301 : i32 to vector<16xi32>
      %eq3A_303 = arith.cmpi eq, %iota3A, %eq3A_302 : vector<16xi32>
      %jit3A_304 = arith.constant 0 : i32
      %broadcast_in_dim3A_305 = vector.broadcast %jit3A_304 : i32 to vector<16xi32>
      %select_n3A_306 = arith.select %eq3A_303, %get3A_16, %broadcast_in_dim3A_305 : vector<16xi1>, vector<16xi32>
      %reduce_max3A_307 = arith.constant true
      %reduce_max3A_308 = vector.broadcast %reduce_max3A_307 : i1 to vector<16xi1>
      %reduce_max3A_309 = arith.constant -2147483648 : i32
      %reduce_max3A_310 = vector.broadcast %reduce_max3A_309 : i32 to vector<16xi32>
      %reduce_max3A_311 = arith.xori %select_n3A_306, %reduce_max3A_310 : vector<16xi32>
      %reduce_max3A_312 = tpu.scan <max>, %reduce_max3A_311 masked %reduce_max3A_308 : vector<16xi32>, vector<16xi1> -> vector<16xi32>
      %reduce_max3A_313 = arith.xori %reduce_max3A_312, %reduce_max3A_310 : vector<16xi32>
      %reduce_max3A_314 = vector.extract %reduce_max3A_313[15] : i32 from vector<16xi32>
      %mul3A_315 = arith.constant 16 : i32
      %mul3A_316 = arith.muli %scan3A_13, %mul3A_315 : i32
      %add3A_317 = arith.constant 10 : i32
      %add3A_318 = arith.addi %mul3A_316, %add3A_317 : i32
      %mul3A_319 = arith.constant 64 : i32
      %mul3A_320 = arith.muli %add3A_318, %mul3A_319 : i32
      %dma_start3A_321 = arith.constant 0 : i32
      %dma_start3A_322 = tpu.memref_slice %arg6[%mul3A_320] : memref<32768xf32, #tpu.memory_space<vmem>> -> memref<64xf32, #tpu.memory_space<vmem>>
      %dma_start3A_323 = arith.constant 0 : i32
      %dma_start3A_324 = tpu.memref_slice %arg3[%reduce_max3A_314, %dma_start3A_321, %dma_start3A_323] : memref<1000000x1x64xf32, #tpu.memory_space<hbm>> -> memref<1x1x64xf32, #tpu.memory_space<hbm>>
      %dma_start3A_325 = tpu.memref_squeeze %dma_start3A_324 : memref<1x1x64xf32, #tpu.memory_space<hbm>> -> memref<64xf32, #tpu.memory_space<hbm>>
      %dma_start3A_326 = tpu.memref_slice %arg6[%mul3A_320] : memref<32768xf32, #tpu.memory_space<vmem>> -> memref<64xf32, #tpu.memory_space<vmem>>
      %dma_start3A_327 = arith.constant 0 : i32
      %dma_start3A_328 = tpu.memref_slice %arg3[%reduce_max3A_314, %dma_start3A_321, %dma_start3A_327] : memref<1000000x1x64xf32, #tpu.memory_space<hbm>> -> memref<1x1x64xf32, #tpu.memory_space<hbm>>
      %dma_start3A_329 = tpu.memref_squeeze %dma_start3A_328 : memref<1x1x64xf32, #tpu.memory_space<hbm>> -> memref<64xf32, #tpu.memory_space<hbm>>
      tpu.enqueue_dma source(%dma_start3A_329 : memref<64xf32, #tpu.memory_space<hbm>>) target(%dma_start3A_326 : memref<64xf32, #tpu.memory_space<vmem>>) target_semaphore(%arg7 : memref<!tpu.dma_semaphore, #tpu.memory_space<semaphore_mem>>)
      %eq3A_330 = arith.constant 11 : i32
      %eq3A_331 = vector.broadcast %eq3A_330 : i32 to vector<16xi32>
      %eq3A_332 = arith.cmpi eq, %iota3A, %eq3A_331 : vector<16xi32>
      %jit3A_333 = arith.constant 0 : i32
      %broadcast_in_dim3A_334 = vector.broadcast %jit3A_333 : i32 to vector<16xi32>
      %select_n3A_335 = arith.select %eq3A_332, %get3A_16, %broadcast_in_dim3A_334 : vector<16xi1>, vector<16xi32>
      %reduce_max3A_336 = arith.constant true
      %reduce_max3A_337 = vector.broadcast %reduce_max3A_336 : i1 to vector<16xi1>
      %reduce_max3A_338 = arith.constant -2147483648 : i32
      %reduce_max3A_339 = vector.broadcast %reduce_max3A_338 : i32 to vector<16xi32>
      %reduce_max3A_340 = arith.xori %select_n3A_335, %reduce_max3A_339 : vector<16xi32>
      %reduce_max3A_341 = tpu.scan <max>, %reduce_max3A_340 masked %reduce_max3A_337 : vector<16xi32>, vector<16xi1> -> vector<16xi32>
      %reduce_max3A_342 = arith.xori %reduce_max3A_341, %reduce_max3A_339 : vector<16xi32>
      %reduce_max3A_343 = vector.extract %reduce_max3A_342[15] : i32 from vector<16xi32>
      %mul3A_344 = arith.constant 16 : i32
      %mul3A_345 = arith.muli %scan3A_13, %mul3A_344 : i32
      %add3A_346 = arith.constant 11 : i32
      %add3A_347 = arith.addi %mul3A_345, %add3A_346 : i32
      %mul3A_348 = arith.constant 64 : i32
      %mul3A_349 = arith.muli %add3A_347, %mul3A_348 : i32
      %dma_start3A_350 = arith.constant 0 : i32
      %dma_start3A_351 = tpu.memref_slice %arg6[%mul3A_349] : memref<32768xf32, #tpu.memory_space<vmem>> -> memref<64xf32, #tpu.memory_space<vmem>>
      %dma_start3A_352 = arith.constant 0 : i32
      %dma_start3A_353 = tpu.memref_slice %arg3[%reduce_max3A_343, %dma_start3A_350, %dma_start3A_352] : memref<1000000x1x64xf32, #tpu.memory_space<hbm>> -> memref<1x1x64xf32, #tpu.memory_space<hbm>>
      %dma_start3A_354 = tpu.memref_squeeze %dma_start3A_353 : memref<1x1x64xf32, #tpu.memory_space<hbm>> -> memref<64xf32, #tpu.memory_space<hbm>>
      %dma_start3A_355 = tpu.memref_slice %arg6[%mul3A_349] : memref<32768xf32, #tpu.memory_space<vmem>> -> memref<64xf32, #tpu.memory_space<vmem>>
      %dma_start3A_356 = arith.constant 0 : i32
      %dma_start3A_357 = tpu.memref_slice %arg3[%reduce_max3A_343, %dma_start3A_350, %dma_start3A_356] : memref<1000000x1x64xf32, #tpu.memory_space<hbm>> -> memref<1x1x64xf32, #tpu.memory_space<hbm>>
      %dma_start3A_358 = tpu.memref_squeeze %dma_start3A_357 : memref<1x1x64xf32, #tpu.memory_space<hbm>> -> memref<64xf32, #tpu.memory_space<hbm>>
      tpu.enqueue_dma source(%dma_start3A_358 : memref<64xf32, #tpu.memory_space<hbm>>) target(%dma_start3A_355 : memref<64xf32, #tpu.memory_space<vmem>>) target_semaphore(%arg7 : memref<!tpu.dma_semaphore, #tpu.memory_space<semaphore_mem>>)
      %eq3A_359 = arith.constant 12 : i32
      %eq3A_360 = vector.broadcast %eq3A_359 : i32 to vector<16xi32>
      %eq3A_361 = arith.cmpi eq, %iota3A, %eq3A_360 : vector<16xi32>
      %jit3A_362 = arith.constant 0 : i32
      %broadcast_in_dim3A_363 = vector.broadcast %jit3A_362 : i32 to vector<16xi32>
      %select_n3A_364 = arith.select %eq3A_361, %get3A_16, %broadcast_in_dim3A_363 : vector<16xi1>, vector<16xi32>
      %reduce_max3A_365 = arith.constant true
      %reduce_max3A_366 = vector.broadcast %reduce_max3A_365 : i1 to vector<16xi1>
      %reduce_max3A_367 = arith.constant -2147483648 : i32
      %reduce_max3A_368 = vector.broadcast %reduce_max3A_367 : i32 to vector<16xi32>
      %reduce_max3A_369 = arith.xori %select_n3A_364, %reduce_max3A_368 : vector<16xi32>
      %reduce_max3A_370 = tpu.scan <max>, %reduce_max3A_369 masked %reduce_max3A_366 : vector<16xi32>, vector<16xi1> -> vector<16xi32>
      %reduce_max3A_371 = arith.xori %reduce_max3A_370, %reduce_max3A_368 : vector<16xi32>
      %reduce_max3A_372 = vector.extract %reduce_max3A_371[15] : i32 from vector<16xi32>
      %mul3A_373 = arith.constant 16 : i32
      %mul3A_374 = arith.muli %scan3A_13, %mul3A_373 : i32
      %add3A_375 = arith.constant 12 : i32
      %add3A_376 = arith.addi %mul3A_374, %add3A_375 : i32
      %mul3A_377 = arith.constant 64 : i32
      %mul3A_378 = arith.muli %add3A_376, %mul3A_377 : i32
      %dma_start3A_379 = arith.constant 0 : i32
      %dma_start3A_380 = tpu.memref_slice %arg6[%mul3A_378] : memref<32768xf32, #tpu.memory_space<vmem>> -> memref<64xf32, #tpu.memory_space<vmem>>
      %dma_start3A_381 = arith.constant 0 : i32
      %dma_start3A_382 = tpu.memref_slice %arg3[%reduce_max3A_372, %dma_start3A_379, %dma_start3A_381] : memref<1000000x1x64xf32, #tpu.memory_space<hbm>> -> memref<1x1x64xf32, #tpu.memory_space<hbm>>
      %dma_start3A_383 = tpu.memref_squeeze %dma_start3A_382 : memref<1x1x64xf32, #tpu.memory_space<hbm>> -> memref<64xf32, #tpu.memory_space<hbm>>
      %dma_start3A_384 = tpu.memref_slice %arg6[%mul3A_378] : memref<32768xf32, #tpu.memory_space<vmem>> -> memref<64xf32, #tpu.memory_space<vmem>>
      %dma_start3A_385 = arith.constant 0 : i32
      %dma_start3A_386 = tpu.memref_slice %arg3[%reduce_max3A_372, %dma_start3A_379, %dma_start3A_385] : memref<1000000x1x64xf32, #tpu.memory_space<hbm>> -> memref<1x1x64xf32, #tpu.memory_space<hbm>>
      %dma_start3A_387 = tpu.memref_squeeze %dma_start3A_386 : memref<1x1x64xf32, #tpu.memory_space<hbm>> -> memref<64xf32, #tpu.memory_space<hbm>>
      tpu.enqueue_dma source(%dma_start3A_387 : memref<64xf32, #tpu.memory_space<hbm>>) target(%dma_start3A_384 : memref<64xf32, #tpu.memory_space<vmem>>) target_semaphore(%arg7 : memref<!tpu.dma_semaphore, #tpu.memory_space<semaphore_mem>>)
      %eq3A_388 = arith.constant 13 : i32
      %eq3A_389 = vector.broadcast %eq3A_388 : i32 to vector<16xi32>
      %eq3A_390 = arith.cmpi eq, %iota3A, %eq3A_389 : vector<16xi32>
      %jit3A_391 = arith.constant 0 : i32
      %broadcast_in_dim3A_392 = vector.broadcast %jit3A_391 : i32 to vector<16xi32>
      %select_n3A_393 = arith.select %eq3A_390, %get3A_16, %broadcast_in_dim3A_392 : vector<16xi1>, vector<16xi32>
      %reduce_max3A_394 = arith.constant true
      %reduce_max3A_395 = vector.broadcast %reduce_max3A_394 : i1 to vector<16xi1>
      %reduce_max3A_396 = arith.constant -2147483648 : i32
      %reduce_max3A_397 = vector.broadcast %reduce_max3A_396 : i32 to vector<16xi32>
      %reduce_max3A_398 = arith.xori %select_n3A_393, %reduce_max3A_397 : vector<16xi32>
      %reduce_max3A_399 = tpu.scan <max>, %reduce_max3A_398 masked %reduce_max3A_395 : vector<16xi32>, vector<16xi1> -> vector<16xi32>
      %reduce_max3A_400 = arith.xori %reduce_max3A_399, %reduce_max3A_397 : vector<16xi32>
      %reduce_max3A_401 = vector.extract %reduce_max3A_400[15] : i32 from vector<16xi32>
      %mul3A_402 = arith.constant 16 : i32
      %mul3A_403 = arith.muli %scan3A_13, %mul3A_402 : i32
      %add3A_404 = arith.constant 13 : i32
      %add3A_405 = arith.addi %mul3A_403, %add3A_404 : i32
      %mul3A_406 = arith.constant 64 : i32
      %mul3A_407 = arith.muli %add3A_405, %mul3A_406 : i32
      %dma_start3A_408 = arith.constant 0 : i32
      %dma_start3A_409 = tpu.memref_slice %arg6[%mul3A_407] : memref<32768xf32, #tpu.memory_space<vmem>> -> memref<64xf32, #tpu.memory_space<vmem>>
      %dma_start3A_410 = arith.constant 0 : i32
      %dma_start3A_411 = tpu.memref_slice %arg3[%reduce_max3A_401, %dma_start3A_408, %dma_start3A_410] : memref<1000000x1x64xf32, #tpu.memory_space<hbm>> -> memref<1x1x64xf32, #tpu.memory_space<hbm>>
      %dma_start3A_412 = tpu.memref_squeeze %dma_start3A_411 : memref<1x1x64xf32, #tpu.memory_space<hbm>> -> memref<64xf32, #tpu.memory_space<hbm>>
      %dma_start3A_413 = tpu.memref_slice %arg6[%mul3A_407] : memref<32768xf32, #tpu.memory_space<vmem>> -> memref<64xf32, #tpu.memory_space<vmem>>
      %dma_start3A_414 = arith.constant 0 : i32
      %dma_start3A_415 = tpu.memref_slice %arg3[%reduce_max3A_401, %dma_start3A_408, %dma_start3A_414] : memref<1000000x1x64xf32, #tpu.memory_space<hbm>> -> memref<1x1x64xf32, #tpu.memory_space<hbm>>
      %dma_start3A_416 = tpu.memref_squeeze %dma_start3A_415 : memref<1x1x64xf32, #tpu.memory_space<hbm>> -> memref<64xf32, #tpu.memory_space<hbm>>
      tpu.enqueue_dma source(%dma_start3A_416 : memref<64xf32, #tpu.memory_space<hbm>>) target(%dma_start3A_413 : memref<64xf32, #tpu.memory_space<vmem>>) target_semaphore(%arg7 : memref<!tpu.dma_semaphore, #tpu.memory_space<semaphore_mem>>)
      %eq3A_417 = arith.constant 14 : i32
      %eq3A_418 = vector.broadcast %eq3A_417 : i32 to vector<16xi32>
      %eq3A_419 = arith.cmpi eq, %iota3A, %eq3A_418 : vector<16xi32>
      %jit3A_420 = arith.constant 0 : i32
      %broadcast_in_dim3A_421 = vector.broadcast %jit3A_420 : i32 to vector<16xi32>
      %select_n3A_422 = arith.select %eq3A_419, %get3A_16, %broadcast_in_dim3A_421 : vector<16xi1>, vector<16xi32>
      %reduce_max3A_423 = arith.constant true
      %reduce_max3A_424 = vector.broadcast %reduce_max3A_423 : i1 to vector<16xi1>
      %reduce_max3A_425 = arith.constant -2147483648 : i32
      %reduce_max3A_426 = vector.broadcast %reduce_max3A_425 : i32 to vector<16xi32>
      %reduce_max3A_427 = arith.xori %select_n3A_422, %reduce_max3A_426 : vector<16xi32>
      %reduce_max3A_428 = tpu.scan <max>, %reduce_max3A_427 masked %reduce_max3A_424 : vector<16xi32>, vector<16xi1> -> vector<16xi32>
      %reduce_max3A_429 = arith.xori %reduce_max3A_428, %reduce_max3A_426 : vector<16xi32>
      %reduce_max3A_430 = vector.extract %reduce_max3A_429[15] : i32 from vector<16xi32>
      %mul3A_431 = arith.constant 16 : i32
      %mul3A_432 = arith.muli %scan3A_13, %mul3A_431 : i32
      %add3A_433 = arith.constant 14 : i32
      %add3A_434 = arith.addi %mul3A_432, %add3A_433 : i32
      %mul3A_435 = arith.constant 64 : i32
      %mul3A_436 = arith.muli %add3A_434, %mul3A_435 : i32
      %dma_start3A_437 = arith.constant 0 : i32
      %dma_start3A_438 = tpu.memref_slice %arg6[%mul3A_436] : memref<32768xf32, #tpu.memory_space<vmem>> -> memref<64xf32, #tpu.memory_space<vmem>>
      %dma_start3A_439 = arith.constant 0 : i32
      %dma_start3A_440 = tpu.memref_slice %arg3[%reduce_max3A_430, %dma_start3A_437, %dma_start3A_439] : memref<1000000x1x64xf32, #tpu.memory_space<hbm>> -> memref<1x1x64xf32, #tpu.memory_space<hbm>>
      %dma_start3A_441 = tpu.memref_squeeze %dma_start3A_440 : memref<1x1x64xf32, #tpu.memory_space<hbm>> -> memref<64xf32, #tpu.memory_space<hbm>>
      %dma_start3A_442 = tpu.memref_slice %arg6[%mul3A_436] : memref<32768xf32, #tpu.memory_space<vmem>> -> memref<64xf32, #tpu.memory_space<vmem>>
      %dma_start3A_443 = arith.constant 0 : i32
      %dma_start3A_444 = tpu.memref_slice %arg3[%reduce_max3A_430, %dma_start3A_437, %dma_start3A_443] : memref<1000000x1x64xf32, #tpu.memory_space<hbm>> -> memref<1x1x64xf32, #tpu.memory_space<hbm>>
      %dma_start3A_445 = tpu.memref_squeeze %dma_start3A_444 : memref<1x1x64xf32, #tpu.memory_space<hbm>> -> memref<64xf32, #tpu.memory_space<hbm>>
      tpu.enqueue_dma source(%dma_start3A_445 : memref<64xf32, #tpu.memory_space<hbm>>) target(%dma_start3A_442 : memref<64xf32, #tpu.memory_space<vmem>>) target_semaphore(%arg7 : memref<!tpu.dma_semaphore, #tpu.memory_space<semaphore_mem>>)
      %eq3A_446 = arith.constant 15 : i32
      %eq3A_447 = vector.broadcast %eq3A_446 : i32 to vector<16xi32>
      %eq3A_448 = arith.cmpi eq, %iota3A, %eq3A_447 : vector<16xi32>
      %jit3A_449 = arith.constant 0 : i32
      %broadcast_in_dim3A_450 = vector.broadcast %jit3A_449 : i32 to vector<16xi32>
      %select_n3A_451 = arith.select %eq3A_448, %get3A_16, %broadcast_in_dim3A_450 : vector<16xi1>, vector<16xi32>
      %reduce_max3A_452 = arith.constant true
      %reduce_max3A_453 = vector.broadcast %reduce_max3A_452 : i1 to vector<16xi1>
      %reduce_max3A_454 = arith.constant -2147483648 : i32
      %reduce_max3A_455 = vector.broadcast %reduce_max3A_454 : i32 to vector<16xi32>
      %reduce_max3A_456 = arith.xori %select_n3A_451, %reduce_max3A_455 : vector<16xi32>
      %reduce_max3A_457 = tpu.scan <max>, %reduce_max3A_456 masked %reduce_max3A_453 : vector<16xi32>, vector<16xi1> -> vector<16xi32>
      %reduce_max3A_458 = arith.xori %reduce_max3A_457, %reduce_max3A_455 : vector<16xi32>
      %reduce_max3A_459 = vector.extract %reduce_max3A_458[15] : i32 from vector<16xi32>
      %mul3A_460 = arith.constant 16 : i32
      %mul3A_461 = arith.muli %scan3A_13, %mul3A_460 : i32
      %add3A_462 = arith.constant 15 : i32
      %add3A_463 = arith.addi %mul3A_461, %add3A_462 : i32
      %mul3A_464 = arith.constant 64 : i32
      %mul3A_465 = arith.muli %add3A_463, %mul3A_464 : i32
      %dma_start3A_466 = arith.constant 0 : i32
      %dma_start3A_467 = tpu.memref_slice %arg6[%mul3A_465] : memref<32768xf32, #tpu.memory_space<vmem>> -> memref<64xf32, #tpu.memory_space<vmem>>
      %dma_start3A_468 = arith.constant 0 : i32
      %dma_start3A_469 = tpu.memref_slice %arg3[%reduce_max3A_459, %dma_start3A_466, %dma_start3A_468] : memref<1000000x1x64xf32, #tpu.memory_space<hbm>> -> memref<1x1x64xf32, #tpu.memory_space<hbm>>
      %dma_start3A_470 = tpu.memref_squeeze %dma_start3A_469 : memref<1x1x64xf32, #tpu.memory_space<hbm>> -> memref<64xf32, #tpu.memory_space<hbm>>
      %dma_start3A_471 = tpu.memref_slice %arg6[%mul3A_465] : memref<32768xf32, #tpu.memory_space<vmem>> -> memref<64xf32, #tpu.memory_space<vmem>>
      %dma_start3A_472 = arith.constant 0 : i32
      %dma_start3A_473 = tpu.memref_slice %arg3[%reduce_max3A_459, %dma_start3A_466, %dma_start3A_472] : memref<1000000x1x64xf32, #tpu.memory_space<hbm>> -> memref<1x1x64xf32, #tpu.memory_space<hbm>>
      %dma_start3A_474 = tpu.memref_squeeze %dma_start3A_473 : memref<1x1x64xf32, #tpu.memory_space<hbm>> -> memref<64xf32, #tpu.memory_space<hbm>>
      tpu.enqueue_dma source(%dma_start3A_474 : memref<64xf32, #tpu.memory_space<hbm>>) target(%dma_start3A_471 : memref<64xf32, #tpu.memory_space<vmem>>) target_semaphore(%arg7 : memref<!tpu.dma_semaphore, #tpu.memory_space<semaphore_mem>>)
    }
    %scan3A_7 = arith.constant 32 : i32
    %dma_wait3A = arith.constant 0 : i32
    %dma_wait3A_8 = tpu.memref_slice %arg4[%dma_wait3A] : memref<1048576xf32, #tpu.memory_space<hbm>> -> memref<32768xf32, #tpu.memory_space<hbm>>
    %dma_wait3A_9 = arith.constant 0 : i32
    %dma_wait3A_10 = tpu.memref_slice %arg4[%dma_wait3A_9] : memref<1048576xf32, #tpu.memory_space<hbm>> -> memref<32768xf32, #tpu.memory_space<hbm>>
    tpu.wait_dma2 semaphore(%arg7 : memref<!tpu.dma_semaphore, #tpu.memory_space<semaphore_mem>>) src(%dma_wait3A_10 : memref<32768xf32, #tpu.memory_space<hbm>>) dst(%arg6 : memref<32768xf32, #tpu.memory_space<vmem>>)
    %mul3A_11 = arith.constant 64 : i32
    %mul3A_12 = arith.muli %mul3A_2, %mul3A_11 : i32
    "tpu.region"() ({
      %run_scoped3A = tpu.sem_alloc : memref<!tpu.dma_semaphore, #tpu.memory_space<semaphore_mem>>
      %dma_start3A = tpu.memref_slice %arg4[%mul3A_12] : memref<1048576xf32, #tpu.memory_space<hbm>> -> memref<32768xf32, #tpu.memory_space<hbm>>
      %dma_start3A_13 = tpu.memref_slice %arg4[%mul3A_12] : memref<1048576xf32, #tpu.memory_space<hbm>> -> memref<32768xf32, #tpu.memory_space<hbm>>
      tpu.enqueue_dma source(%arg6 : memref<32768xf32, #tpu.memory_space<vmem>>) target(%dma_start3A_13 : memref<32768xf32, #tpu.memory_space<hbm>>) target_semaphore(%run_scoped3A : memref<!tpu.dma_semaphore, #tpu.memory_space<semaphore_mem>>)
      %dma_wait3A_14 = tpu.memref_slice %arg4[%mul3A_12] : memref<1048576xf32, #tpu.memory_space<hbm>> -> memref<32768xf32, #tpu.memory_space<hbm>>
      %dma_wait3A_15 = tpu.memref_slice %arg4[%mul3A_12] : memref<1048576xf32, #tpu.memory_space<hbm>> -> memref<32768xf32, #tpu.memory_space<hbm>>
      tpu.wait_dma2 semaphore(%run_scoped3A : memref<!tpu.dma_semaphore, #tpu.memory_space<semaphore_mem>>) src(%arg6 : memref<32768xf32, #tpu.memory_space<vmem>>) dst(%dma_wait3A_15 : memref<32768xf32, #tpu.memory_space<hbm>>)
      tpu.yield
    }) : () -> ()
    return
  }
}

</mosaic_0001>

<sc_bundles>
// kernel: kernel.3.cloned.1.call-start
scs
__scs_entry_jumppad:
0x0: {  	(pc) =	sbr.rel $0x88, $3  }
0x1: {  	(tag) =	ssettag $0x0;
	lr =	simm.s32 $0x1  }
0x2: {  	[smem:$0x3F9F] =	sst lr;
	_ =	strace $0xD0000000  }
0x3: {  	_ = 	snop  }
0x4: {  	_ = 	snop  }
0x5: {  	_ = 	snop  }
0x6: {  	_ = 	snop  }
0x7: {  	_ = 	snop  }
__scs_overlays_trampoline_lowered:
0x8: {  	[smem:$0x3FAE] =	sst s0  }
0x9: {  	[smem:$0x3FAF] =	sst s1  }
0xa: {  	[smem:$0x3FB0] =	sst s2  }
0xb: {  	[smem:$0x3FB1] =	sst s3  }
0xc: {  	[smem:$0x3FB2] =	sst s4  }
0xd: {  	[smem:$0x3FB3] =	sst s5  }
0xe: {  	[smem:$0x3FB4] =	sst s6  }
0xf: {  	[smem:$0x3FB5] =	sst s7  }
0x10: {  	[smem:$0x3FB6] =	sst s8  }
0x11: {  	[smem:$0x3FB7] =	sst s9;
	s0 =	simm.s32 @!p0 $0x0  }
0x12: {  	s1 =	sld [smem:$0x3F9D];
	s0 =	simm.s32 @p0 $0x1  }
0x13: {  	[smem:$0x3FB8] =	sst s0;
	s0 =	simm.s32 @!p1 $0x0  }
0x14: {  	s2 =	sld [smem:$0x3F9C];
	s0 =	simm.s32 @p1 $0x1  }
0x15: {  	[smem:$0x3FB9] =	sst s0;
	s0 =	simm.s32 @!p2 $0x0  }
0x16: {  	s3 =	sld [smem:$0x3FDB];
	s0 =	simm.s32 @p2 $0x1  }
0x17: {  	s4 =	simm.s32 $0x1BF5;
	[smem:$0x3FBB] =	sst s0  }
0x18: {  	s0 =	sld [smem:$0x3F9E];
	_ =	swait.ge [sflag:s4], $0x0  }
0x19: {  	s7 =	sld [smem:$0x3F9F]  }
0x1a: {  	s8 =	sadd.s32 $0xFFFFE003, lr  }
0x1b: {  	s9 =	sadd.s32 $0xFFFFFEF7, lr;
	s5 =	simm.s32 $0xFFFFFFFF;
	p2 =	slt.u32 s8, $0xFFFFF086  }
0x1c: {  	p1 =	slt.u32 s9, $0xF7A;
	s5 =	simm.s32 @!p2 $0x0  }
0x1d: {  	s5 =	simm.s32 @p1 $0x1;
	p0 =	seq.s32 s7, s2  }
0x1e: {  	s7 =	smul.u32 @!p0 $0xF7A, s2;
	p2 =	seq.s32 @!p0 s5, $0x0  }
0x1f: {  	s9 =	smul.u32 $0xF7A, s1;
	s8 =	simm.s32 @!p0 $0x1BF5;
	p2 =	por !p2, p0  }
0x20: {  	[sflag:s8] =	ssyncset.s32 @!p0 $0xFFFFF086;
	s6 =	sadd.s32 @!p0 s3, s7;
	s7 =	simm.s32 @!p0 $0x108  }
0x21: {  	s3 =	sadd.s32 s3, s9;
	s6 =	sadd.s32 @!p0 $0x88, s6;
	s7 =	simm.s32 @p2 $0x1082  }
0x22: {  	[simem:s7], [sflag:s8] =	dma.local @!p0 [hbm:s6], $0xF7A  }
0x23: {  	s9 =	sor.u32 $0xD0000000, s2;
	s6 =	simm.s32 $0x108;
	_ =	swait.ge @!p0 [sflag:s8], $0x0  }
0x24: {  	s3 =	sadd.s32 $0x88, s3;
	s6 =	simm.s32 @!p1 $0x1082;
	[sflag:s4] =	ssyncset.s32 $0xFFFFF086  }
0x25: {  	[simem:s6], [sflag:s4] =	dma.local [hbm:s3], $0xF7A  }
0x26: {  	[smem:$0x3F9F] =	sst s1;
	(tag) =	ssettag s2;
	_ =	strace s9  }
0x27: {  	s1 =	sld [smem:$0x3FAF]  }
0x28: {  	s2 =	sld [smem:$0x3FB0]  }
0x29: {  	s4 =	sld [smem:$0x3FB2]  }
0x2a: {  	p0 =	seq.s32 s5, $0x0;
	s5 =	sld [smem:$0x3FB3]  }
0x2b: {  	s6 =	sld [smem:$0x3FB4]  }
0x2c: {  	s7 =	sld [smem:$0x3FB5]  }
0x2d: {  	s3 =	simm.s32 $0x108;
	s8 =	sld [smem:$0x3FB6]  }
0x2e: {  	s3 =	simm.s32 @!p0 $0x1082;
	s9 =	sld [smem:$0x3FB7]  }
0x2f: {  	lr =	sadd.s32 s0, s3;
	s0 =	sld [smem:$0x3FAE]  }
0x30: {  	s3 =	sld [smem:$0x3FB1]  }
0x31: {  	[smem:$0x3FBA] =	sst s10  }
0x32: {  	s10 =	sld [smem:$0x3FB8];
	_ =	sdelay $0x3  }
0x33: {  	p0 =	seq.s32 s10, $0x1;
	s10 =	sld [smem:$0x3FBA];
	_ =	sdelay $0x3  }
0x34: {  	[smem:$0x3FBA] =	sst s10  }
0x35: {  	s10 =	sld [smem:$0x3FB9];
	_ =	sdelay $0x3  }
0x36: {  	p1 =	seq.s32 s10, $0x1;
	s10 =	sld [smem:$0x3FBA];
	_ =	sdelay $0x3  }
0x37: {  	[smem:$0x3FBA] =	sst s10  }
0x38: {  	s10 =	sld [smem:$0x3FBB]  }
0x39: {  	_ = 	snop;
	(pc) =	sbr.ind lr, $3  }
0x3a: {  	_ = 	snop  }
0x3b: {  	_ = 	snop  }
0x3c: {  	p2 =	seq.s32 s10, $0x1;
	s10 =	sld [smem:$0x3FBA]  }
0x3d: {  	_ =	shalt  }
0x3e: {  	_ =	shalt  }
0x3f: {  	_ =	shalt  }
0x40: {  	_ =	shalt  }
0x41: {  	_ =	shalt  }
0x42: {  	_ =	shalt  }
0x43: {  	_ =	shalt  }
0x44: {  	_ =	shalt  }
0x45: {  	_ =	shalt  }
0x46: {  	_ =	shalt  }
0x47: {  	_ =	shalt  }
0x48: {  	_ =	shalt  }
0x49: {  	_ =	shalt  }
0x4a: {  	_ =	shalt  }
0x4b: {  	_ =	shalt  }
0x4c: {  	_ =	shalt  }
0x4d: {  	_ =	shalt  }
0x4e: {  	_ =	shalt  }
0x4f: {  	_ =	shalt  }
0x50: {  	_ =	shalt  }
0x51: {  	_ =	shalt  }
0x52: {  	_ =	shalt  }
0x53: {  	_ =	shalt  }
0x54: {  	_ =	shalt  }
0x55: {  	_ =	shalt  }
0x56: {  	_ =	shalt  }
0x57: {  	_ =	shalt  }
0x58: {  	_ =	shalt  }
0x59: {  	_ =	shalt  }
0x5a: {  	_ =	shalt  }
0x5b: {  	_ =	shalt  }
0x5c: {  	_ =	shalt  }
0x5d: {  	_ =	shalt  }
0x5e: {  	_ =	shalt  }
0x5f: {  	_ =	shalt  }
0x60: {  	_ =	shalt  }
0x61: {  	_ =	shalt  }
0x62: {  	_ =	shalt  }
0x63: {  	_ =	shalt  }
0x64: {  	_ =	shalt  }
0x65: {  	_ =	shalt  }
0x66: {  	_ =	shalt  }
0x67: {  	_ =	shalt  }
0x68: {  	_ =	shalt  }
0x69: {  	_ =	shalt  }
0x6a: {  	_ =	shalt  }
0x6b: {  	_ =	shalt  }
0x6c: {  	_ =	shalt  }
0x6d: {  	_ =	shalt  }
0x6e: {  	_ =	shalt  }
0x6f: {  	_ =	shalt  }
0x70: {  	_ =	shalt  }
0x71: {  	_ =	shalt  }
0x72: {  	_ =	shalt  }
0x73: {  	_ =	shalt  }
0x74: {  	_ =	shalt  }
0x75: {  	_ =	shalt  }
0x76: {  	_ =	shalt  }
0x77: {  	_ =	shalt  }
0x78: {  	_ =	shalt  }
0x79: {  	_ =	shalt  }
0x7a: {  	_ =	shalt  }
0x7b: {  	_ =	shalt  }
0x7c: {  	_ =	shalt  }
0x7d: {  	_ =	shalt  }
0x7e: {  	_ =	shalt  }
0x7f: {  	_ =	shalt  }
0x80: {  	_ =	shalt  }
0x81: {  	_ =	shalt  }
0x82: {  	_ =	shalt  }
0x83: {  	_ =	shalt  }
0x84: {  	_ =	shalt  }
0x85: {  	_ =	shalt  }
0x86: {  	_ =	shalt  }
0x87: {  	_ =	shalt  }
.Lfunc_end0:
.L_simem_size_0:
called_computation_lowered:
.L_overlay_start_0:
0x88: {  	s2 =	sld [smem:$0x3FD9]  }
0x89: {  	s3 =	sld [smem:$0x3FFE];
	_ =	sdelay $0x1  }
0x8a: {  	s1 =	srdreg.scid  }
0x8b: {  	s0 =	sand.u32 $0x1, s1  }
0x8c: {  	s17 =	sshll.u32 s0, $0xA;
	s2 =	sadd.s32 s3, s2  }
0x8d: {  	s2 =	sadd.s32 s2, s17  }
0x8e: {  	[smem:$0x3FC6] =	sst s2  }
0x8f: {  	_ = 	snop  }
0x90: {  	s2 =	sld [smem:$0x3FC9]  }
0x91: {  	s18 =	sld [smem:$0x3FD0];
	(tm) =	ssettm $0x1  }
0x92: {  	s4 =	sld [smem:$0x3FFB];
	_ =	sdelay $0x3  }
0x93: {  	_ =	strace s4  }
0x94: {  	s4 =	sld [smem:$0x3FFC];
	_ =	sdelay $0x3  }
0x95: {  	_ =	strace s4  }
0x96: {  	s4 =	sld [smem:$0x3FFD];
	_ =	sdelay $0x3  }
0x97: {  	_ =	strace s4  }
0x98: {  	_ =	strace $0x8FFFFFFF  }
0x99: {  	s19 =	sld [smem:$0x3FDB];
	_ =	sdelay $0x1  }
0x9a: {  	s5 =	simm.s32 $_scs_section_size  }
0x9b: {  	s6 =	simm.s32 $_size__tile_overlayer_lowered;
	s7 =	simm.s32 $_tile_overlayer_lowered  }
0x9c: {  	s22 =	simm.s32 $0x1BFF;
	s21 =	sshll.u32 s7, $0x1;
	s4 =	sadd.s32 s5, s19  }
0x9d: {  	s8 =	simm.s32 $0x0;
	s20 =	sshll.u32 s6, $0x1;
	s6 =	sadd.s32 s21, s4  }
0x9e: {  	[timem:s8], [sflag:s22] =	dma.local [hbm:s6], s20  }
0x9f: {  	_ =	swait.ge [sflag:s22], s20  }
0xa0: {  	s5 =	ssub.s32 $0x0, s20;
	[sflag:s22] =	ssyncset.done $0x0  }
0xa1: {  	[sflag:s22] =	ssyncadd.s32 s5;
	_ =	sdelay $0x1  }
0xa2: {  	s23 =	simm.s32 $0x1B8B  }
0xa3: {  	_ =	swait.ge [sflag:s23], $0x1  }
0xa4: {  	[sflag:s23] =	ssyncset.done $0x0  }
0xa5: {  	s25 =	simm.s32 $0x1B8E;
	s24 =	sld [smem:$0x3FFE];
	[sflag:s23] =	ssyncadd.s32 $0xFFFFFFFF  }
0xa6: {  	s26 =	simm.s32 $execute0_lowered;
	[smem:$0x3FD2] =	sst s25  }
0xa7: {  	s6 =	sshll.u32 s26, $0x1;
	_ =	strace $0x80000046;
	[dreg:$0x1] =	wrdreg $0xFFFFFFFF  }
0xa8: {  	s28 =	simm.s32 $_size_execute0_lowered;
	s4 =	sadd.s32 s4, s6;
	[dreg:$0x0] =	wrdreg $0x0  }
0xa9: {  	s6 =	sshll.u32 s28, $0x1;
	[dreg:$0x2] =	wrdreg s4  }
0xaa: {  	[dreg:$0x3] =	wrdreg s6  }
0xab: {  	[dreg:$0x4] =	wrdreg $0xC0  }
0xac: {  	_ =	task [dreg:s8], $0x5FFFF  }
0xad: {  	[dreg:$0x1] =	wrdreg $0xFFFFFFFF  }
0xae: {  	[dreg:$0x0] =	wrdreg $0x60  }
0xaf: {  	[dreg:$0x2] =	wrdreg s2  }
0xb0: {  	[dreg:$0x3] =	wrdreg s24  }
0xb1: {  	[dreg:$0x4] =	wrdreg s18  }
0xb2: {  	[dreg:$0x5] =	wrdreg $0x9  }
0xb3: {  	_ =	task.clear_ibuf [dreg:s8], $0x6FFFF;
	_ =	strace $0x90000046  }
0xb4: {  	s29 =	simm.s32 $0x9;
	_ =	strace $0x80000048  }
0xb5: {  	_ =	swait.ge [sflag:s29], $0x1  }
0xb6: {  	[sflag:s29] =	ssyncadd.s32 $0xFFFFFFFF  }
0xb7: {  	_ =	strace $0x90000048  }
0xb8: {  	_ =	sfence  }
0xb9: {  	s30 =	sld [smem:$0x0];
	_ =	sdelay $0x2  }
0xba: {  	s31 =	sshll.u32 s1, $0xD;
	s1 =	sshrl.u32 s1, $0x2  }
0xbb: {  	s3 =	sand.u32 $0x4000, s31;
	s1 =	sadd.s32 s1, s30  }
0xbc: {  	s0 =	sor.u32 s3, s0;
	s1 =	sshll.u32 s1, $0x11  }
0xbd: {  	s0 =	sor.u32 s1, s0  }
0xbe: {  	s0 =	sadd.s32 $0x8F2B, s0  }
0xbf: {  	[sflag:s0] =	ssyncadd.remote.s32 $0x1  }
0xc0: {  	_ =	sfence.sel $0xFFFF  }
0xc1: {  	[dreg:$0x0] =	wrdreg $0xFFFFFFFF;
	(pc) =	sbr.abs _section_cstart, $3  }
0xc2: {  	[dreg:$0x1] =	wrdreg $0xFFFFFFFF  }
0xc3: {  	_ =	task.clear_ibuf [dreg:s8], $0x2FFFF;
	_ =	strace $0x9FFFFFFF  }
0xc4: {  	(tm) =	ssettm $0x7FFFFFFF  }
0xc5: {  	_ =	shalt  }
tec
execute0_lowered:
.L_overlay_start_1:
0x0: {  	(tag) =	ssettag $0x1  }
0x1: {  	s0 =	rddreg [dreg:$0x0]  }
0x2: {  	s3 =	rddreg [dreg:$0x1]  }
0x3: {  	s5 =	rddreg [dreg:$0x2];
	s2 =	simm.s32 $0x0  }
0x4: {  	s4 =	srdreg.scid;
	s1 =	stileid.u32;
	s10 =	simm.s32 $0x0  }
0x5: {  	vm0 =	vmmov $0x1;
	[smem:$0x7FF] =	sst s2;
	s4 =	sand.u32 $0x1, s4;
	s6 =	sshll.u32 s1, $0x1  }
0x6: {  	vm1 =	vcmask $0x308;
	vm2 =	vcmask $0x70C;
	vm3 =	vcmask $0xB10;
	s3 =	sadd.s32 $0x400, s3;
	s7 =	ssub.s32 $0x2, s4;
	s6 =	sor.u32 s4, s6  }
0x7: {  	vm4 =	vcmask $0xF14;
	vm5 =	vcmask $0x1318;
	vm6 =	vcmask $0x171C;
	_ =	strace $0x80000047;
	s30 =	sshrl.u32 s7, $0x1;
	s8 =	sshll.u32 s6, $0x6  }
0x8: {  	vm7 =	vcmask $0x1B20;
	vm8 =	vcmask $0x1F24;
	vm9 =	vcmask $0x2328;
	s31 =	sshll.u32 s6, $0xC;
	s7 =	ssub.s32 s7, s30;
	s0 =	sadd.s32 s0, s8  }
0x9: {  	vm10 =	vcmask $0x272C;
	vm11 =	vcmask $0x2B30;
	vm12 =	vcmask $0x2F34;
	s8 =	simm.s32 $0x1;
	[dreg:$0x4] =	wrdreg s0;
	s0 =	sadd.s32 s5, s31  }
0xa: {  	vm13 =	vcmask $0x3338;
	vm14 =	vcmask $0x373C;
	vm15 =	vmmov $0x7fff;
	s6 =	smax.u32 s7, $0x1;
	s7 =	simm.s32 $0x2;
	[dreg:$0x5] =	wrdreg s0  }
.LBB2_1:
0xb: {  	s0 =	rddreg [dreg:$0x4]  }
0xc: {  	[tilespmem:s2], [sflag:$0x2] =	stream.linear.gather [hbm4b:s0+s2], $0x200, $0x38;
	[tilespmem:$0x8200] =	vst v63  }
0xd: {  	_ =	swait.ge [sflag:s7], $0x200  }
0xe: {  	[sflag:s7] =	ssyncset.done $0x0  }
0xf: {  	[sflag:s7] =	ssyncadd.s32 $0xFFFFFE00  }
0x10: {  	v0 =	vld [tilespmem:s2+$0x0];
	_ =	sdelay $0x4  }
0x11: {  	v1 =	vsel vm9, $0x0, v0  }
0x12: {  	v1 =	vxor.u32 $0x80000000, v1  }
0x13: {  	v2 =	vsel vm1, $0x0, v0;
	(xrf0) =	vmax.scan.msk.u32 $0xffff, v1  }
0x14: {  	v2 =	vxor.u32 $0x80000000, v2  }
0x15: {  	v1 =	vsel vm2, $0x0, v0;
	(xrf0) =	vmax.scan.msk.u32 $0xffff, v2  }
0x16: {  	v2 =	vnsel vm0, $0x0, v0;
	v1 =	vxor.u32 $0x80000000, v1  }
0x17: {  	v2 =	vxor.u32 $0x80000000, v2;
	(xrf0) =	vmax.scan.msk.u32 $0xffff, v1  }
0x18: {  	(xrf0) =	vmax.scan.msk.u32 $0xffff, v2  }
0x19: {  	v2 =	vsel vm3, $0x0, v0;
	v1, _, _ =	vpop (xrf0)  }
0x1a: {  	(v2sf) =	vpush v1, $0xF;
	v1 =	vxor.u32 $0x80000000, v2;
	v2 =	vsel vm10, $0x0, v0  }
0x1b: {  	v3, _, _ =	vpop (xrf0);
	v2 =	vxor.u32 $0x80000000, v2  }
0x1c: {  	v4 =	vsel vm12, $0x0, v0;
	(v2sf) =	vpush v3, $0xF;
	v3 =	vsel vm8, $0x0, v0;
	(xrf0) =	vmax.scan.msk.u32 $0xffff, v1  }
0x1d: {  	v4 =	vxor.u32 $0x80000000, v4;
	v3 =	vxor.u32 $0x80000000, v3;
	(xrf0) =	vmax.scan.msk.u32 $0xffff, v2;
	v1, _, _ =	vpop (xrf0)  }
0x1e: {  	(xrf0) =	vmax.scan.msk.u32 $0xffff, v3;
	v3 =	vsel vm5, $0x0, v0;
	v2, _, _ =	vpop (xrf0);
	(v2sf) =	vpush v1, $0xF;
	v1 =	vsel vm6, $0x0, v0  }
0x1f: {  	(xrf0) =	vmax.scan.msk.u32 $0xffff, v4;
	(v2sf) =	vpush v2, $0xF;
	v2 =	vsel vm4, $0x0, v0;
	v1 =	vxor.u32 $0x80000000, v1  }
0x20: {  	v2 =	vxor.u32 $0x80000000, v2;
	(xrf0) =	vmax.scan.msk.u32 $0xffff, v1;
	v1 =	vxor.u32 $0x80000000, v3;
	v3 =	vsel vm7, $0x0, v0  }
0x21: {  	(xrf0) =	vmax.scan.msk.u32 $0xffff, v2;
	v2 =	vxor.u32 $0x80000000, v3  }
0x22: {  	v3 =	vsel vm11, $0x0, v0  }
0x23: {  	v4, _, _ =	vpop (xrf0);
	(xrf0) =	vmax.scan.msk.u32 $0xffff, v1;
	v1 =	vxor.u32 $0x80000000, v3;
	v3 =	vsel vm13, $0x0, v0  }
0x24: {  	(v2sf) =	vpush v4, $0xF;
	(xrf0) =	vmax.scan.msk.u32 $0xffff, v2;
	v3 =	vxor.u32 $0x80000000, v3;
	v2, _, _ =	vpop (xrf0)  }
0x25: {  	v6, _, _ =	vpop (xrf0);
	(v2sf) =	vpush v2, $0xF  }
0x26: {  	(xrf0) =	vmax.scan.msk.u32 $0xffff, v1;
	v1, _, _ =	vpop (xrf0);
	(v2sf) =	vpush v6, $0xF  }
0x27: {  	v5 =	vsel vm14, $0x0, v0;
	(xrf0) =	vmax.scan.msk.u32 $0xffff, v3;
	v3, _, _ =	vpop (xrf0)  }
0x28: {  	v5 =	vxor.u32 $0x80000000, v5;
	(v2sf) =	vpush v3, $0xF  }
0x29: {  	v0 =	vsel vm15, $0x0, v0  }
0x2a: {  	v0 =	vxor.u32 $0x80000000, v0  }
0x2b: {  	s12 =	simm.s32 $0x1000;
	s11 =	simm.s32 $0x0;
	(xrf0) =	vmax.scan.msk.u32 $0xffff, v5;
	v5, _, _ =	vpop (xrf0)  }
0x2c: {  	s17 =	simm.s32 $0x280;
	s13 =	simm.s32 $0x3C0;
	s21 =	simm.s32 $0x200;
	(xrf0) =	vmax.scan.msk.u32 $0xffff, v0;
	(v2sf) =	vpush v5, $0xF  }
0x2d: {  	s20 =	simm.s32 $0x240;
	s16 =	simm.s32 $0x300;
	v0, _, _ =	vpop (xrf0);
	s28 =	spop (v2sf)  }
0x2e: {  	s15 =	simm.s32 $0x340;
	s23 =	simm.s32 $0x2C0;
	v6, _, _ =	vpop (xrf0);
	s18 =	spop (v2sf);
	(v2sf) =	vpush v0, $0xF  }
0x2f: {  	s19 =	simm.s32 $0x380;
	s14 =	simm.s32 $0x10;
	s0 =	sshll.u32 s28, $0x4;
	v4, _, _ =	vpop (xrf0)  }
0x30: {  	s24 =	simm.s32 $0x4C0;
	s22 =	sshll.u32 s18, $0x4;
	s25 =	sand.u32 $0x1FFFFFF0, s0;
	(v2sf) =	vpush v6, $0xF;
	v3, _, _ =	vpop (xrf0)  }
0x31: {  	s18 =	simm.s32 $0x540;
	s30 =	sand.u32 $0x1FFFFFF0, s22;
	v2, _, _ =	vpop (xrf0);
	s29 =	spop (v2sf)  }
0x32: {  	s22 =	simm.s32 $0x500;
	v0, _, _ =	vpop (xrf0);
	s31 =	sshll.u32 s29, $0x4;
	s0 =	spop (v2sf)  }
.LBB2_2:
0x33: {  	s28 =	sadd.s32 $0x440, s11;
	s26 =	sadd.s32 $0x480, s11;
	s29 =	spop (v2sf)  }
0x34: {  	s1 =	sshll.u32 s29, $0x4;
	s29 =	sadd.s32 $0x400, s11;
	s9 =	spop (v2sf)  }
0x35: {  	s0 =	sshll.u32 s0, $0x4;
	s1 =	sand.u32 $0x1FFFFFF0, s1;
	s4 =	spop (v2sf);
	(v2sf) =	vpush v1, $0xF  }
0x36: {  	s0 =	sand.u32 $0x1FFFFFF0, s0;
	s9 =	sshll.u32 s9, $0x4;
	s4 =	sshll.u32 s4, $0x4  }
0x37: {  	s0 =	sadd.s32 s3, s0;
	s4 =	sand.u32 $0x1FFFFFF0, s4;
	s5 =	spop (v2sf);
	(v2sf) =	vpush v4, $0xF  }
0x38: {  	[tilespmem:s21], [sflag:$0x1] =	stream.linear.gather [hbm4b:s0+s2], $0x40, $0x38;
	[tilespmem:$0x8200] =	vst v63  }
0x39: {  	s0 =	sadd.s32 s3, s30;
	s21 =	sand.u32 $0x1FFFFFF0, s31;
	s5 =	sshll.u32 s5, $0x4  }
0x3a: {  	[tilespmem:s20], [sflag:$0x1] =	stream.linear.gather [hbm4b:s0+s2], $0x40, $0x38;
	[tilespmem:$0x8200] =	vst v63  }
0x3b: {  	s5 =	sand.u32 $0x1FFFFFF0, s5;
	s0 =	sadd.s32 s3, s21;
	s20 =	spop (v2sf);
	(v2sf) =	vpush v3, $0xF  }
0x3c: {  	[tilespmem:s17], [sflag:$0x1] =	stream.linear.gather [hbm4b:s0+s2], $0x40, $0x38;
	[tilespmem:$0x8200] =	vst v63  }
0x3d: {  	s0 =	sadd.s32 s3, s1;
	s1 =	sshll.u32 s20, $0x4;
	s17 =	spop (v2sf);
	(v2sf) =	vpush v2, $0xF  }
0x3e: {  	[tilespmem:s23], [sflag:$0x1] =	stream.linear.gather [hbm4b:s0+s2], $0x40, $0x38;
	[tilespmem:$0x8200] =	vst v63  }
0x3f: {  	s0 =	sand.u32 $0x1FFFFFF0, s1;
	s1 =	sshll.u32 s17, $0x4;
	s17 =	spop (v2sf)  }
0x40: {  	s0 =	sadd.s32 s3, s0;
	s1 =	sand.u32 $0x1FFFFFF0, s1;
	s17 =	sshll.u32 s17, $0x4  }
0x41: {  	[tilespmem:s16], [sflag:$0x1] =	stream.linear.gather [hbm4b:s0+s2], $0x40, $0x38;
	(v2sf) =	vpush v0, $0xF;
	[tilespmem:$0x8200] =	vst v63  }
0x42: {  	s9 =	sand.u32 $0x1FFFFFF0, s9;
	s0 =	sadd.s32 s3, s1;
	s1 =	sand.u32 $0x1FFFFFF0, s17  }
0x43: {  	[tilespmem:s15], [sflag:$0x1] =	stream.linear.gather [hbm4b:s0+s2], $0x40, $0x38;
	[tilespmem:$0x8200] =	vst v63  }
0x44: {  	s1 =	sadd.s32 s3, s1;
	s0 =	sadd.s32 s3, s5;
	s5 =	spop (v2sf)  }
0x45: {  	[tilespmem:s19], [sflag:$0x1] =	stream.linear.gather [hbm4b:s0+s2], $0x40, $0x38;
	[tilespmem:$0x8200] =	vst v63  }
0x46: {  	s0 =	sadd.s32 s3, s4;
	s4 =	sshll.u32 s5, $0x4;
	s5 =	spop (v2sf)  }
0x47: {  	[tilespmem:s13], [sflag:$0x1] =	stream.linear.gather [hbm4b:s1+s2], $0x40, $0x38;
	[tilespmem:$0x8200] =	vst v63  }
0x48: {  	s4 =	sand.u32 $0x1FFFFFF0, s4;
	s1 =	sadd.s32 s3, s25;
	s5 =	sshll.u32 s5, $0x4  }
0x49: {  	[tilespmem:s29], [sflag:$0x1] =	stream.linear.gather [hbm4b:s0+s2], $0x40, $0x38;
	[tilespmem:$0x8200] =	vst v63  }
0x4a: {  	s5 =	sand.u32 $0x1FFFFFF0, s5;
	s0 =	sadd.s32 s3, s9;
	s9 =	spop (v2sf)  }
0x4b: {  	[tilespmem:s28], [sflag:$0x1] =	stream.linear.gather [hbm4b:s1+s2], $0x40, $0x38;
	[tilespmem:$0x8200] =	vst v63  }
0x4c: {  	s1 =	sadd.s32 s3, s5;
	s5 =	sshll.u32 s9, $0x4;
	s9 =	spop (v2sf)  }
0x4d: {  	[tilespmem:s26], [sflag:$0x1] =	stream.linear.gather [hbm4b:s0+s2], $0x40, $0x38;
	[tilespmem:$0x8200] =	vst v63  }
0x4e: {  	s0 =	sadd.s32 s3, s4;
	s4 =	sand.u32 $0x1FFFFFF0, s5;
	s5 =	sshll.u32 s9, $0x4  }
0x4f: {  	[tilespmem:s24], [sflag:$0x1] =	stream.linear.gather [hbm4b:s1+s2], $0x40, $0x38;
	[tilespmem:$0x8200] =	vst v63  }
0x50: {  	s1 =	sadd.s32 s3, s4;
	s4 =	sand.u32 $0x1FFFFFF0, s5;
	s5 =	spop (v2sf)  }
0x51: {  	[tilespmem:s22], [sflag:$0x1] =	stream.linear.gather [hbm4b:s0+s2], $0x40, $0x38;
	[tilespmem:$0x8200] =	vst v63  }
0x52: {  	p0 =	sne.s32 s12, $0x1F000;
	s0 =	sadd.s32 s3, s4;
	s4 =	sshll.u32 s5, $0x4  }
0x53: {  	[tilespmem:s18], [sflag:$0x1] =	stream.linear.gather [hbm4b:s1+s2], $0x40, $0x38;
	[tilespmem:$0x8200] =	vst v63  }
0x54: {  	s5 =	sadd.s32 $0x5C0, s11;
	s4 =	sand.u32 $0x1FFFFFF0, s4;
	s1 =	sadd.s32 $0x580, s11  }
0x55: {  	[tilespmem:s1], [sflag:$0x1] =	stream.linear.gather [hbm4b:s0+s2], $0x40, $0x38;
	[tilespmem:$0x8200] =	vst v63  }
0x56: {  	s0 =	sadd.s32 s3, s4;
	s1 =	smov.u32 s12;
	s12 =	sadd.s32 $0x1000, s12  }
0x57: {  	[tilespmem:s5], [sflag:$0x1] =	stream.linear.gather [hbm4b:s0+s2], $0x40, $0x38;
	[tilespmem:$0x8200] =	vst v63  }
0x58: {  	v0 =	vld [tilespmem:s14+$0x0]  }
0x59: {  	s11 =	sshra.s32 s1, $0x2  }
0x5a: {  	s17 =	sadd.s32 $0x280, s11;
	s13 =	sadd.s32 $0x3C0, s11;
	_ =	sdelay $0x1  }
0x5b: {  	s21 =	sadd.s32 $0x200, s11;
	s20 =	sadd.s32 $0x240, s11;
	s16 =	sadd.s32 $0x300, s11  }
0x5c: {  	v1 =	vsel vm1, $0x0, v0;
	v2 =	vsel vm6, $0x0, v0;
	v3 =	vsel vm9, $0x0, v0  }
0x5d: {  	s15 =	sadd.s32 $0x340, s11;
	v4 =	vnsel vm0, $0x0, v0;
	v5 =	vsel vm12, $0x0, v0;
	v3 =	vxor.u32 $0x80000000, v3  }
0x5e: {  	v6 =	vsel vm4, $0x0, v0;
	v1 =	vxor.u32 $0x80000000, v1;
	v5 =	vxor.u32 $0x80000000, v5;
	(xrf0) =	vmax.scan.msk.u32 $0xffff, v3  }
0x5f: {  	v7 =	vsel vm3, $0x0, v0;
	v8 =	vsel vm5, $0x0, v0;
	v3 =	vsel vm2, $0x0, v0;
	(xrf0) =	vmax.scan.msk.u32 $0xffff, v1  }
0x60: {  	v1 =	vxor.u32 $0x80000000, v3;
	v3 =	vxor.u32 $0x80000000, v7;
	v7 =	vxor.u32 $0x80000000, v8  }
0x61: {  	v4 =	vxor.u32 $0x80000000, v4;
	v6 =	vxor.u32 $0x80000000, v6;
	v8 =	vsel vm7, $0x0, v0;
	(xrf0) =	vmax.scan.msk.u32 $0xffff, v1  }
0x62: {  	v9 =	vsel vm11, $0x0, v0;
	v1 =	vxor.u32 $0x80000000, v8;
	v8 =	vsel vm10, $0x0, v0;
	(xrf0) =	vmax.scan.msk.u32 $0xffff, v4  }
0x63: {  	v9 =	vxor.u32 $0x80000000, v9;
	v4 =	vsel vm8, $0x0, v0;
	v8 =	vxor.u32 $0x80000000, v8;
	(xrf0) =	vmax.scan.msk.u32 $0xffff, v3  }
0x64: {  	s23 =	sadd.s32 $0x2C0, s11;
	v12 =	vsel vm14, $0x0, v0;
	v3 =	vxor.u32 $0x80000000, v4;
	v4 =	vsel vm13, $0x0, v0;
	v11, _, _ =	vpop (xrf0);
	(xrf0) =	vmax.scan.msk.u32 $0xffff, v8  }
0x65: {  	s19 =	sadd.s32 $0x380, s11;
	v4 =	vxor.u32 $0x80000000, v4;
	v8 =	vxor.u32 $0x80000000, v12;
	v10, _, _ =	vpop (xrf0);
	(xrf0) =	vmax.scan.msk.u32 $0xffff, v3;
	(v2sf) =	vpush v11, $0xF  }
0x66: {  	v0 =	vsel vm15, $0x0, v0;
	v11 =	vxor.u32 $0x80000000, v2;
	(v2sf) =	vpush v10, $0xF;
	(xrf0) =	vmax.scan.msk.u32 $0xffff, v5  }
0x67: {  	v0 =	vxor.u32 $0x80000000, v0;
	v3, _, _ =	vpop (xrf0);
	(xrf0) =	vmax.scan.msk.u32 $0xffff, v11  }
0x68: {  	v2, _, _ =	vpop (xrf0);
	(v2sf) =	vpush v3, $0xF;
	(xrf0) =	vmax.scan.msk.u32 $0xffff, v6  }
0x69: {  	(v2sf) =	vpush v2, $0xF;
	v2, _, _ =	vpop (xrf0);
	(xrf0) =	vmax.scan.msk.u32 $0xffff, v7  }
0x6a: {  	(v2sf) =	vpush v2, $0xF;
	(xrf0) =	vmax.scan.msk.u32 $0xffff, v1;
	v1, _, _ =	vpop (xrf0)  }
0x6b: {  	v2, _, _ =	vpop (xrf0);
	(v2sf) =	vpush v1, $0xF;
	(xrf0) =	vmax.scan.msk.u32 $0xffff, v9  }
0x6c: {  	(v2sf) =	vpush v2, $0xF;
	v1, _, _ =	vpop (xrf0);
	(xrf0) =	vmax.scan.msk.u32 $0xffff, v4  }
0x6d: {  	v2, _, _ =	vpop (xrf0);
	(xrf0) =	vmax.scan.msk.u32 $0xffff, v8  }
0x6e: {  	v3, _, _ =	vpop (xrf0);
	(v2sf) =	vpush v2, $0xF;
	(xrf0) =	vmax.scan.msk.u32 $0xffff, v0  }
0x6f: {  	v0, _, _ =	vpop (xrf0)  }
0x70: {  	v5, _, _ =	vpop (xrf0)  }
0x71: {  	v4, _, _ =	vpop (xrf0)  }
0x72: {  	(v2sf) =	vpush v3, $0xF;
	v3, _, _ =	vpop (xrf0)  }
0x73: {  	v2, _, _ =	vpop (xrf0)  }
.Ltmp0:
0x74: {  	(v2sf) =	vpush v0, $0xF;
	s0 =	spop (v2sf);
	v0, _, _ =	vpop (xrf0);
	(pc) =	sbr.rel @p0 .LBB2_2-.Ltmp0, $4  }
0x75: {  	s14 =	sadd.s32 $0x10, s14;
	s0 =	sshll.u32 s0, $0x4;
	s1 =	spop (v2sf)  }
0x76: {  	s18 =	sadd.s32 $0x540, s11;
	s1 =	sshll.u32 s1, $0x4;
	s25 =	sand.u32 $0x1FFFFFF0, s0;
	(v2sf) =	vpush v5, $0xF  }
0x77: {  	s22 =	sadd.s32 $0x500, s11;
	s30 =	sand.u32 $0x1FFFFFF0, s1;
	s0 =	spop (v2sf)  }
0x78: {  	s24 =	sadd.s32 $0x4C0, s11;
	s31 =	sshll.u32 s0, $0x4;
	s0 =	spop (v2sf)  }
0x79: {  	s0 =	sshll.u32 s0, $0x4  }
0x7a: {  	s29 =	spop (v2sf);
	s0 =	sand.u32 $0x1FFFFFF0, s0  }
0x7b: {  	s28 =	sadd.s32 s3, s30;
	s30 =	spop (v2sf);
	s0 =	sadd.s32 s3, s0  }
0x7c: {  	[tilespmem:s21], [sflag:$0x1] =	stream.linear.gather [hbm4b:s0+s2], $0x40, $0x38;
	[tilespmem:$0x8200] =	vst v63  }
0x7d: {  	s1 =	sand.u32 $0x1FFFFFF0, s31;
	s4 =	spop (v2sf);
	s0 =	sshll.u32 s29, $0x4  }
0x7e: {  	[tilespmem:s20], [sflag:$0x1] =	stream.linear.gather [hbm4b:s28+s2], $0x40, $0x38;
	[tilespmem:$0x8200] =	vst v63  }
0x7f: {  	s1 =	sadd.s32 s3, s1;
	s0 =	sand.u32 $0x1FFFFFF0, s0;
	s31 =	spop (v2sf)  }
0x80: {  	[tilespmem:s17], [sflag:$0x1] =	stream.linear.gather [hbm4b:s1+s2], $0x40, $0x38;
	[tilespmem:$0x8200] =	vst v63  }
0x81: {  	s0 =	sadd.s32 s3, s0;
	s5 =	spop (v2sf)  }
0x82: {  	[tilespmem:s23], [sflag:$0x1] =	stream.linear.gather [hbm4b:s0+s2], $0x40, $0x38;
	[tilespmem:$0x8200] =	vst v63  }
0x83: {  	s5 =	sshll.u32 s5, $0x4  }
0x84: {  	s5 =	sand.u32 $0x1FFFFFF0, s5  }
0x85: {  	s9 =	spop (v2sf);
	s5 =	sadd.s32 s3, s5  }
0x86: {  	[tilespmem:s16], [sflag:$0x1] =	stream.linear.gather [hbm4b:s5+s2], $0x40, $0x38;
	[tilespmem:$0x8200] =	vst v63  }
0x87: {  	(v2sf) =	vpush v1, $0xF;
	s5 =	sshll.u32 s9, $0x4  }
0x88: {  	s0 =	sshll.u32 s31, $0x4;
	s5 =	sand.u32 $0x1FFFFFF0, s5  }
0x89: {  	s0 =	sand.u32 $0x1FFFFFF0, s0;
	s12 =	spop (v2sf);
	(v2sf) =	vpush v4, $0xF;
	s5 =	sadd.s32 s3, s5  }
0x8a: {  	[tilespmem:s15], [sflag:$0x1] =	stream.linear.gather [hbm4b:s5+s2], $0x40, $0x38;
	[tilespmem:$0x8200] =	vst v63  }
0x8b: {  	s0 =	sadd.s32 s3, s0  }
0x8c: {  	[tilespmem:s19], [sflag:$0x1] =	stream.linear.gather [hbm4b:s0+s2], $0x40, $0x38;
	[tilespmem:$0x8200] =	vst v63  }
0x8d: {  	s0 =	sshll.u32 s12, $0x4  }
0x8e: {  	(v2sf) =	vpush v3, $0xF;
	s0 =	sand.u32 $0x1FFFFFF0, s0  }
0x8f: {  	s14 =	sshll.u32 s4, $0x4;
	s0 =	sadd.s32 s3, s0  }
0x90: {  	[tilespmem:s13], [sflag:$0x1] =	stream.linear.gather [hbm4b:s0+s2], $0x40, $0x38;
	[tilespmem:$0x8200] =	vst v63  }
0x91: {  	s0 =	sand.u32 $0x1FFFFFF0, s14  }
0x92: {  	(v2sf) =	vpush v2, $0xF;
	s15 =	sadd.s32 $0x400, s11;
	s19 =	sshll.u32 s30, $0x4;
	s0 =	sadd.s32 s3, s0  }
0x93: {  	[tilespmem:s15], [sflag:$0x1] =	stream.linear.gather [hbm4b:s0+s2], $0x40, $0x38;
	[tilespmem:$0x8200] =	vst v63  }
0x94: {  	s17 =	sadd.s32 s3, s25;
	s16 =	sadd.s32 $0x440, s11;
	s0 =	sand.u32 $0x1FFFFFF0, s19  }
0x95: {  	[tilespmem:s16], [sflag:$0x1] =	stream.linear.gather [hbm4b:s17+s2], $0x40, $0x38;
	[tilespmem:$0x8200] =	vst v63  }
0x96: {  	s20 =	sadd.s32 $0x480, s11;
	s21 =	spop (v2sf);
	(v2sf) =	vpush v0, $0xF;
	s0 =	sadd.s32 s3, s0  }
0x97: {  	[tilespmem:s20], [sflag:$0x1] =	stream.linear.gather [hbm4b:s0+s2], $0x40, $0x38;
	[tilespmem:$0x8200] =	vst v63  }
0x98: {  	s23 =	spop (v2sf)  }
0x99: {  	s1 =	sshll.u32 s23, $0x4  }
0x9a: {  	s0 =	sshll.u32 s21, $0x4;
	s1 =	sand.u32 $0x1FFFFFF0, s1  }
0x9b: {  	s0 =	sand.u32 $0x1FFFFFF0, s0;
	s1 =	sadd.s32 s3, s1  }
0x9c: {  	[tilespmem:s24], [sflag:$0x1] =	stream.linear.gather [hbm4b:s1+s2], $0x40, $0x38;
	[tilespmem:$0x8200] =	vst v63  }
0x9d: {  	s0 =	sadd.s32 s3, s0;
	s24 =	spop (v2sf)  }
0x9e: {  	[tilespmem:s22], [sflag:$0x1] =	stream.linear.gather [hbm4b:s0+s2], $0x40, $0x38;
	[tilespmem:$0x8200] =	vst v63  }
0x9f: {  	s0 =	sshll.u32 s24, $0x4  }
0xa0: {  	s0 =	sand.u32 $0x1FFFFFF0, s0  }
0xa1: {  	s25 =	spop (v2sf);
	s0 =	sadd.s32 s3, s0  }
0xa2: {  	[tilespmem:s18], [sflag:$0x1] =	stream.linear.gather [hbm4b:s0+s2], $0x40, $0x38;
	[tilespmem:$0x8200] =	vst v63  }
0xa3: {  	s0 =	sshll.u32 s25, $0x4  }
0xa4: {  	s0 =	sand.u32 $0x1FFFFFF0, s0  }
0xa5: {  	s26 =	sadd.s32 $0x580, s11;
	s28 =	spop (v2sf);
	s0 =	sadd.s32 s3, s0  }
0xa6: {  	[tilespmem:s26], [sflag:$0x1] =	stream.linear.gather [hbm4b:s0+s2], $0x40, $0x38;
	[tilespmem:$0x8200] =	vst v63  }
0xa7: {  	s0 =	sshll.u32 s28, $0x4  }
0xa8: {  	s0 =	sand.u32 $0x1FFFFFF0, s0  }
0xa9: {  	s29 =	sadd.s32 $0x5C0, s11;
	s0 =	sadd.s32 s3, s0  }
0xaa: {  	[tilespmem:s29], [sflag:$0x1] =	stream.linear.gather [hbm4b:s0+s2], $0x40, $0x38;
	[tilespmem:$0x8200] =	vst v63  }
0xab: {  	s10 =	sadd.s32 $0x1, s10;
	_ =	swait.ge [sflag:s8], $0x8000  }
0xac: {  	p0 =	sne.s32 s10, s6;
	s31 =	simm.s32 $0x200;
	[sflag:s8] =	ssyncset.done $0x0  }
.Ltmp1:
0xad: {  	s30 =	rddreg [dreg:$0x5];
	[sflag:s8] =	ssyncadd.s32 $0xFFFF8000;
	(pc) =	sbr.rel @p0 .LBB2_1-.Ltmp1, $4  }
0xae: {  	[hbm4b:s30+s2] =	stream.linear.scatter [tilespmem:s31], [sflag:$0x2], $0x8000, $0x38;
	[tilespmem:$0x8200] =	vst v63  }
0xaf: {  	_ =	swait.ge [sflag:s7], $0x8000  }
0xb0: {  	[sflag:s7] =	ssyncset.done $0x0  }
0xb1: {  	[sflag:s7] =	ssyncadd.s32 $0xFFFF8000  }
0xb2: {  	_ =	sfence.sel $0x180000  }
0xb3: {  	[bflag:$0x0] =	sbarrier.arrive $0xFFFF  }
0xb4: {  	_ =	strace $0x90000047  }
0xb5: {  	s0 =	stileid.u32;
	[bflag:$0x2] =	sbarrier.arrive $0xFFFF  }
0xb6: {  	p0 =	sne.s32 s0, $0x0;
	s0 =	rddreg [dreg:$0x3]  }
0xb7: {  	s0 =	sadd.s32 @!p0 $0x100000, s0  }
0xb8: {  	[sflag:s0] =	ssyncadd.tile.s32 @!p0 $0x1;
	_ =	shalt  }
.Lfunc_end2:
_tile_overlayer_lowered:
.L_overlay_start_2:
0xb9: {  	(tag) =	ssettag $0x2  }
0xba: {  	s0 =	rddreg [dreg:$0x0];
	s2 =	stileid.u32  }
0xbb: {  	s1 =	rddreg [dreg:$0x1];
	p0 =	sne.s32 s2, $0x0  }
0xbc: {  	s3 =	rddreg [dreg:$0x2];
	[bflag:$0x3] =	sbarrier.arrive $0xFFFF;
	s2 =	simm.s32 @!p0 $0x1C02  }
0xbd: {  	[timem:s3], [sflag:s2] =	dma.local @!p0 [hbm:s0], s1  }
0xbe: {  	s0 =	simm.s32 @!p0 $0x2  }
0xbf: {  	_ =	swait.ge @!p0 [sflag:s0], s1  }
0xc0: {  	s1 =	ssub.s32 @!p0 $0x0, s1;
	[sflag:s0] =	ssyncset.done @!p0 $0x0  }
0xc1: {  	[sflag:s0] =	ssyncadd.s32 @!p0 s1  }
0xc2: {  	[bflag:$0x3] =	sbarrier.arrive $0xFFFF  }
0xc3: {  	_ =	shalt  }

</sc_bundles>
